<compile_context>
chip_gen: v7x
topology: tpu7x:2x2x1
jax: 0.10.2.dev20260603
libtpu: 0.0.44.dev20260713+nightly
codegen_flags: <defaults>
</compile_context>

<pallas_src>
import functools

import jax
import jax.numpy as jnp
from jax import lax
from jax.experimental import pallas as pl
from jax.experimental.pallas import tpu as pltpu
from jax.experimental.pallas import tpu_sc as plsc

NUM_CLS = 151
C_PAD = 152
EMBED_DIM = 200
E_PAD = 256
HIDDEN = 512
N_PER = 256
N_IMG = 4
NMS_THRESH = 0.5

SC_CORES = 2
SC_SUBCORES = 16
SC_WORKERS = SC_CORES * SC_SUBCORES
B_PER_W = (N_IMG * N_PER) // SC_WORKERS


def _embed_gather_sc(table_hbm, idx_hbm, out_hbm, idx_v, rows_v, sem):
    wid = lax.axis_index("s") * SC_CORES + lax.axis_index("c")
    base = wid * B_PER_W
    pltpu.sync_copy(idx_hbm.at[pl.ds(base, B_PER_W)], idx_v)
    pltpu.async_copy(table_hbm.at[idx_v], rows_v, sem).wait()
    pltpu.sync_copy(rows_v, out_hbm.at[pl.ds(base, B_PER_W)])


def _decode_kernel(featsT_ref, wT_ref, b_ref, geom_ref,
                   distsT_ref, labels_ref):
    row_iota = lax.broadcasted_iota(jnp.int32, (C_PAD, N_PER), 0)
    lane_iota = lax.broadcasted_iota(jnp.int32, (C_PAD, N_PER), 1)
    lane1 = lax.broadcasted_iota(jnp.int32, (1, N_PER), 1)
    packed = lane_iota * C_PAD + row_iota
    big = jnp.int32(1 << 30)

    ps = []
    for i in range(N_IMG):
        dT = jnp.dot(wT_ref[...], featsT_ref[i],
                     preferred_element_type=jnp.float32) + b_ref[...]
        dT = jnp.where(row_iota >= NUM_CLS, -1e30, dT)
        distsT_ref[i] = dT
        m = jnp.max(dT, axis=0, keepdims=True)
        e = jnp.exp(dT - m)
        p = e / jnp.sum(e, axis=0, keepdims=True)
        p = jnp.where(row_iota == 0, -1.0, p)
        p = jnp.where(row_iota >= NUM_CLS, -1e9, p)
        ps.append(p)

    def body(_, carry):
        out = []
        for i in range(N_IMG):
            p, labels = carry[i]
            mx = jnp.max(jnp.max(p, axis=0, keepdims=True),
                         axis=1, keepdims=True)
            pk = jnp.min(jnp.where(p == mx, packed, big))
            box = ((pk.astype(jnp.float32) + 0.5)
                   * (1.0 / C_PAD)).astype(jnp.int32)
            cls = pk - box * C_PAD

            g = geom_ref[i, cls]
            x1 = g[0:1]
            y1 = g[1:2]
            x2 = g[2:3]
            y2 = g[3:4]
            onb = lane1 == box
            px1 = jnp.sum(jnp.where(onb, x1, 0.0), axis=1, keepdims=True)
            py1 = jnp.sum(jnp.where(onb, y1, 0.0), axis=1, keepdims=True)
            px2 = jnp.sum(jnp.where(onb, x2, 0.0), axis=1, keepdims=True)
            py2 = jnp.sum(jnp.where(onb, y2, 0.0), axis=1, keepdims=True)

            iw = jnp.maximum(jnp.minimum(px2, x2) - jnp.maximum(px1, x1) + 1.0, 0.0)
            ih = jnp.maximum(jnp.minimum(py2, y2) - jnp.maximum(py1, y1) + 1.0, 0.0)
            inter = iw * ih
            areas = (x2 - x1 + 1.0) * (y2 - y1 + 1.0)
            parea = (px2 - px1 + 1.0) * (py2 - py1 + 1.0)
            iou = inter / (parea + areas - inter)
            mask = iou >= NMS_THRESH

            p = jnp.where((row_iota == cls) & mask, 0.0, p)
            p = jnp.where(lane_iota == box, -1.0, p)
            labels = jnp.where(onb, cls, labels)
            out.append((p, labels))
        return tuple(out)

    carry0 = tuple((p, jnp.zeros((1, N_PER), jnp.int32)) for p in ps)
    carry = lax.fori_loop(0, N_PER, body, carry0)

    for i in range(N_IMG):
        labels_ref[i] = carry[i][1]


def kernel(sem_feats, boxes_per_cls, obj_labels, W_out, b_out, obj_embed_weight):
    del obj_labels
    n_total = N_IMG * N_PER
    featsT = sem_feats.reshape(N_IMG, N_PER, HIDDEN).transpose(0, 2, 1)
    wT = jnp.pad(W_out.T, ((0, C_PAD - NUM_CLS), (0, 0)))
    b_col = jnp.pad(b_out, (0, C_PAD - NUM_CLS)).reshape(C_PAD, 1)
    geom = boxes_per_cls.reshape(N_IMG, N_PER, NUM_CLS, 4).transpose(0, 2, 3, 1)
    geom = jnp.pad(geom, ((0, 0), (0, C_PAD - NUM_CLS), (0, 0), (0, 0)))

    distsT, labels = pl.pallas_call(
        _decode_kernel,
        out_shape=[
            jax.ShapeDtypeStruct((N_IMG, C_PAD, N_PER), jnp.float32),
            jax.ShapeDtypeStruct((N_IMG, 1, N_PER), jnp.int32),
        ],
    )(featsT, wT, b_col, geom)

    obj_dists = distsT[:, :NUM_CLS, :].transpose(0, 2, 1).reshape(n_total, NUM_CLS)
    obj_preds = labels.reshape(n_total)

    table_p = jnp.pad(obj_embed_weight, ((0, 0), (0, E_PAD - EMBED_DIM)))
    embed_p = functools.partial(
        pl.kernel,
        out_type=jax.ShapeDtypeStruct((n_total, E_PAD), jnp.float32),
        mesh=plsc.VectorSubcoreMesh(core_axis_name="c", subcore_axis_name="s",
                                    num_cores=SC_CORES,
                                    num_subcores=SC_SUBCORES),
        scratch_types=[
            pltpu.VMEM((B_PER_W,), jnp.int32),
            pltpu.VMEM((B_PER_W, E_PAD), jnp.float32),
            pltpu.SemaphoreType.DMA,
        ],
    )(_embed_gather_sc)(table_p, obj_preds)
    obj_embed_out = embed_p[:, :EMBED_DIM]
    return (obj_dists, obj_preds, obj_embed_out)

# --- scband reference (transcript-rebuilt; emitter-appended) ---
"""Pipeline reference for scband-obj-mlpdec-70428873720070 (READ-ONLY COPY).

The authoritative reference and input builder live on the scoring server;
editing this copy changes nothing except your own understanding.
"""

import jax, jax.numpy as jnp
import numpy as np

NUM_CLS = 151
EMBED_DIM = 200
HIDDEN = 512
NUM_OBJS = [256, 256, 256, 256]
NMS_THRESH = 0.5


def setup_inputs(seed: int = 0) -> dict:
    key = jax.random.key(seed)
    k1, k2, k3, k4, k5, k6 = jax.random.split(key, 6)
    N = sum(NUM_OBJS)
    sem_feats = jax.random.normal(k1, (N, HIDDEN), dtype=jnp.float32)
    # well-formed boxes per class: x1<x2, y1<y2
    xy1 = jax.random.uniform(k2, (N, NUM_CLS, 2), dtype=jnp.float32) * 900.0
    wh = jax.random.uniform(k3, (N, NUM_CLS, 2), dtype=jnp.float32) * 120.0 + 8.0
    boxes_per_cls = jnp.concatenate([xy1, xy1 + wh], axis=-1)
    obj_labels = jax.random.randint(k4, (N,), 0, NUM_CLS, dtype=jnp.int64)
    W_out = jax.random.normal(k5, (HIDDEN, NUM_CLS), dtype=jnp.float32) * 0.02
    b_out = jnp.zeros((NUM_CLS,), dtype=jnp.float32)
    obj_embed_weight = jax.random.normal(k6, (NUM_CLS, EMBED_DIM), dtype=jnp.float32) * 0.1
    return {"sem_feats": sem_feats, "boxes_per_cls": boxes_per_cls,
            "obj_labels": obj_labels, "W_out": W_out, "b_out": b_out,
            "obj_embed_weight": obj_embed_weight}


def nms_overlaps(boxes):
    # boxes: [n, C, 4] -> per-class pairwise IoU [n, n, C]
    max_xy = jnp.minimum(boxes[:, None, :, 2:], boxes[None, :, :, 2:])
    min_xy = jnp.maximum(boxes[:, None, :, :2], boxes[None, :, :, :2])
    inter = jnp.clip(max_xy - min_xy + 1.0, 0.0)
    inters = inter[..., 0] * inter[..., 1]
    areas = (boxes[..., 2] - boxes[..., 0] + 1.0) * (boxes[..., 3] - boxes[..., 1] + 1.0)  # [n, C]
    union = areas[:, None, :] + areas[None, :, :] - inters
    return inters / union


def _nms_per_cls_single(dists, boxes):
    # greedy per-class NMS decoding (faithful to the torch numpy loop)
    n = dists.shape[0]
    num_cls = dists.shape[1]
    is_overlap = nms_overlaps(boxes) >= NMS_THRESH  # [n, n, C]
    probs = jax.nn.softmax(dists, axis=-1)
    probs = probs.at[:, 0].set(-1.0)  # suppress background
    out_label = jnp.zeros(n, dtype=jnp.int64)

    def body(_, carry):
        probs, out_label = carry
        flat = jnp.argmax(probs)
        box_ind = flat // num_cls
        cls_ind = flat % num_cls
        out_label = out_label.at[box_ind].set(cls_ind.astype(out_label.dtype))
        mask = is_overlap[box_ind, :, cls_ind]  # [n]
        col = jnp.where(mask, 0.0, probs[:, cls_ind])
        probs = probs.at[:, cls_ind].set(col)
        probs = probs.at[box_ind].set(-1.0)
        return probs, out_label

    _, out_label = jax.lax.fori_loop(0, n, body, (probs, out_label))
    return out_label


def reference(sem_feats, boxes_per_cls, obj_labels, W_out, b_out, obj_embed_weight):
    # sgdet, eval mode: classify then decode via per-class greedy NMS
    obj_dists = sem_feats @ W_out + b_out  # [N, NUM_CLS]
    preds = []
    start = 0
    for n in NUM_OBJS:
        preds.append(_nms_per_cls_single(obj_dists[start:start + n],
                                         boxes_per_cls[start:start + n]))
        start += n
    obj_preds = jnp.concatenate(preds, axis=0)  # [N] int64
    obj_embed_out = jnp.take(obj_embed_weight, obj_preds, axis=0)  # [N, EMBED_DIM]
    return (obj_dists, obj_preds, obj_embed_out)

if __name__ == "__main__":
    import jax
    _d = setup_inputs()
    print(jax.jit(kernel)(*tuple(_d.values())))

</pallas_src>

<mosaic_0001>
#map = affine_map<(d0, d1) -> (0, 0)>
#map1 = affine_map<(d0, d1) -> (0)>
module attributes {stable_mosaic.version = 14 : i64} {
  func.func @_embed_gather_sc(%arg0: i32, %arg1: i32, %arg2: memref<151x256xf32, #tpu.memory_space<hbm>>, %arg3: memref<1024xi32, #tpu.memory_space<hbm>>, %arg4: memref<1024x256xf32, #tpu.memory_space<hbm>>, %arg5: memref<32xi32, #tpu.memory_space<vmem>>, %arg6: memref<32x256xf32, #tpu.memory_space<vmem>>, %arg7: memref<!tpu.dma_semaphore, #tpu.memory_space<semaphore_mem>>) attributes {dimension_semantics = [#tpu.dimension_semantics<core_parallel>, #tpu.dimension_semantics<subcore_parallel>], iteration_bounds = array<i64: 2, 16>, scalar_prefetch = 0 : i64, scratch_operands = 3 : i64, tpu.core_type = #tpu.core_type<sc_vector_subcore>, window_params = [{transform_indices = #map}, {transform_indices = #map1}, {transform_indices = #map}]} {
    %mul3A = arith.constant 2 : i32
    %mul3A_0 = arith.muli %arg1, %mul3A : i32
    %add3A = arith.addi %mul3A_0, %arg0 : i32
    %mul3A_1 = arith.constant 32 : i32
    %mul3A_2 = arith.muli %add3A, %mul3A_1 : i32
    "tpu.region"() ({
      %run_scoped3A = tpu.sem_alloc : memref<!tpu.dma_semaphore, #tpu.memory_space<semaphore_mem>>
      %dma_start3A_7 = tpu.memref_slice %arg3[%mul3A_2] : memref<1024xi32, #tpu.memory_space<hbm>> -> memref<32xi32, #tpu.memory_space<hbm>>
      %dma_start3A_8 = tpu.memref_slice %arg3[%mul3A_2] : memref<1024xi32, #tpu.memory_space<hbm>> -> memref<32xi32, #tpu.memory_space<hbm>>
      tpu.enqueue_dma source(%dma_start3A_8 : memref<32xi32, #tpu.memory_space<hbm>>) target(%arg5 : memref<32xi32, #tpu.memory_space<vmem>>) target_semaphore(%run_scoped3A : memref<!tpu.dma_semaphore, #tpu.memory_space<semaphore_mem>>)
      %dma_wait3A_9 = tpu.memref_slice %arg3[%mul3A_2] : memref<1024xi32, #tpu.memory_space<hbm>> -> memref<32xi32, #tpu.memory_space<hbm>>
      %dma_wait3A_10 = tpu.memref_slice %arg3[%mul3A_2] : memref<1024xi32, #tpu.memory_space<hbm>> -> memref<32xi32, #tpu.memory_space<hbm>>
      tpu.wait_dma2 semaphore(%run_scoped3A : memref<!tpu.dma_semaphore, #tpu.memory_space<semaphore_mem>>) src(%dma_wait3A_10 : memref<32xi32, #tpu.memory_space<hbm>>) dst(%arg5 : memref<32xi32, #tpu.memory_space<vmem>>)
      tpu.yield
    }) : () -> ()
    %dma_start3A = arith.constant 0 : i32
    %dma_start3A_3 = arith.constant 0 : i32
    %dma_start3A_4 = tpu.memref_slice %arg2[%dma_start3A, %dma_start3A_3] : memref<151x256xf32, #tpu.memory_space<hbm>> -> memref<151x256xf32, #tpu.memory_space<hbm>>
    tpu.enqueue_indirect_dma source(%dma_start3A_4 : memref<151x256xf32, #tpu.memory_space<hbm>>) target(%arg6 : memref<32x256xf32, #tpu.memory_space<vmem>>) offsets(%arg5 : memref<32xi32, #tpu.memory_space<vmem>>) semaphore(%arg7 : memref<!tpu.dma_semaphore, #tpu.memory_space<semaphore_mem>>)
    %dma_wait3A = arith.constant 0 : i32
    %dma_wait3A_5 = arith.constant 0 : i32
    %dma_wait3A_6 = tpu.memref_slice %arg2[%dma_wait3A, %dma_wait3A_5] : memref<151x256xf32, #tpu.memory_space<hbm>> -> memref<151x256xf32, #tpu.memory_space<hbm>>
    tpu.wait_indirect_dma semaphore(%arg7 : memref<!tpu.dma_semaphore, #tpu.memory_space<semaphore_mem>>) src(%dma_wait3A_6 : memref<151x256xf32, #tpu.memory_space<hbm>>) dst(%arg6 : memref<32x256xf32, #tpu.memory_space<vmem>>)
    "tpu.region"() ({
      %run_scoped3A = tpu.sem_alloc : memref<!tpu.dma_semaphore, #tpu.memory_space<semaphore_mem>>
      %dma_start3A_7 = arith.constant 0 : i32
      %dma_start3A_8 = tpu.memref_slice %arg4[%mul3A_2, %dma_start3A_7] : memref<1024x256xf32, #tpu.memory_space<hbm>> -> memref<32x256xf32, #tpu.memory_space<hbm>>
      %dma_start3A_9 = arith.constant 0 : i32
      %dma_start3A_10 = tpu.memref_slice %arg4[%mul3A_2, %dma_start3A_9] : memref<1024x256xf32, #tpu.memory_space<hbm>> -> memref<32x256xf32, #tpu.memory_space<hbm>>
      tpu.enqueue_dma source(%arg6 : memref<32x256xf32, #tpu.memory_space<vmem>>) target(%dma_start3A_10 : memref<32x256xf32, #tpu.memory_space<hbm>>) target_semaphore(%run_scoped3A : memref<!tpu.dma_semaphore, #tpu.memory_space<semaphore_mem>>)
      %dma_wait3A_11 = arith.constant 0 : i32
      %dma_wait3A_12 = tpu.memref_slice %arg4[%mul3A_2, %dma_wait3A_11] : memref<1024x256xf32, #tpu.memory_space<hbm>> -> memref<32x256xf32, #tpu.memory_space<hbm>>
      %dma_wait3A_13 = arith.constant 0 : i32
      %dma_wait3A_14 = tpu.memref_slice %arg4[%mul3A_2, %dma_wait3A_13] : memref<1024x256xf32, #tpu.memory_space<hbm>> -> memref<32x256xf32, #tpu.memory_space<hbm>>
      tpu.wait_dma2 semaphore(%run_scoped3A : memref<!tpu.dma_semaphore, #tpu.memory_space<semaphore_mem>>) src(%arg6 : memref<32x256xf32, #tpu.memory_space<vmem>>) dst(%dma_wait3A_14 : memref<32x256xf32, #tpu.memory_space<hbm>>)
      tpu.yield
    }) : () -> ()
    return
  }
}

module attributes {stable_mosaic.version = 14 : i64} {
  func.func @_decode_kernel(%arg0: memref<4x512x256xf32, #tpu.memory_space<vmem>>, %arg1: memref<152x512xf32, #tpu.memory_space<vmem>>, %arg2: memref<152x1xf32, #tpu.memory_space<vmem>>, %arg3: memref<4x152x4x256xf32, #tpu.memory_space<vmem>>, %arg4: memref<4x152x256xf32, #tpu.memory_space<vmem>>, %arg5: memref<4x1x256xi32, #tpu.memory_space<vmem>>) attributes {dimension_semantics = [], scalar_prefetch = 0 : i64, scratch_operands = 0 : i64, tpu.core_type = #tpu.core_type<tc>} {
    %iota3A = tpu.iota {dimensions = array<i32: 0>} : vector<152x256xi32>
    %iota3A_0 = tpu.iota {dimensions = array<i32: 1>} : vector<152x256xi32>
    %iota3A_1 = tpu.iota {dimensions = array<i32: 1>} : vector<1x256xi32>
    %mul3A = arith.constant 152 : i32
    %mul3A_2 = vector.broadcast %mul3A : i32 to vector<152x256xi32>
    %mul3A_3 = arith.muli %iota3A_0, %mul3A_2 : vector<152x256xi32>
    %add3A = arith.addi %mul3A_3, %iota3A : vector<152x256xi32>
    %get3A = arith.constant 0 : index
    %get3A_4 = arith.constant 0 : index
    %get3A_5 = vector.load %arg1[%get3A, %get3A_4] : memref<152x512xf32, #tpu.memory_space<vmem>>, vector<152x512xf32>
    %get3A_6 = arith.constant 0 : index
    %get3A_7 = arith.constant 0 : index
    %get3A_8 = arith.constant 0 : index
    %get3A_9 = vector.load %arg0[%get3A_6, %get3A_7, %get3A_8] : memref<4x512x256xf32, #tpu.memory_space<vmem>>, vector<1x512x256xf32>
    %get3A_10 = vector.shape_cast %get3A_9 : vector<1x512x256xf32> to vector<512x256xf32>
    %dot_general3A = arith.constant dense<0.000000e+00> : vector<152x256xf32>
    %dot_general3A_11 = tpu.matmul %get3A_5, %get3A_10, %dot_general3A {dimension_numbers = #tpu.dot_dimension_numbers<[1], [0], [0], [1], [0, 0, 1, 1], [], []>, transpose_lhs_hint = false} : vector<152x512xf32>, vector<512x256xf32>, vector<152x256xf32> -> vector<152x256xf32>
    %get3A_12 = arith.constant 0 : index
    %get3A_13 = arith.constant 0 : index
    %get3A_14 = vector.load %arg2[%get3A_12, %get3A_13] : memref<152x1xf32, #tpu.memory_space<vmem>>, vector<152x1xf32>
    %add3A_15 = vector.broadcast %get3A_14 : vector<152x1xf32> to vector<152x256xf32>
    %add3A_16 = arith.addf %dot_general3A_11, %add3A_15 : vector<152x256xf32>
    %ge3A = arith.constant 151 : i32
    %ge3A_17 = vector.broadcast %ge3A : i32 to vector<152x256xi32>
    %ge3A_18 = arith.cmpi sge, %iota3A, %ge3A_17 : vector<152x256xi32>
    %jit3A = arith.constant -1.000000e+30 : f32
    %broadcast_in_dim3A = vector.broadcast %jit3A : f32 to vector<152x256xf32>
    %select_n3A = arith.select %ge3A_18, %broadcast_in_dim3A, %add3A_16 : vector<152x256xi1>, vector<152x256xf32>
    %swap3A = arith.constant 0 : index
    %swap3A_19 = arith.constant 0 : index
    %swap3A_20 = arith.constant 0 : index
    %swap3A_21 = vector.load %arg4[%swap3A, %swap3A_19, %swap3A_20] : memref<4x152x256xf32, #tpu.memory_space<vmem>>, vector<1x152x256xf32>
    %swap3A_22 = vector.shape_cast %swap3A_21 : vector<1x152x256xf32> to vector<152x256xf32>
    %swap3A_23 = vector.shape_cast %select_n3A : vector<152x256xf32> to vector<1x152x256xf32>
    tpu.vector_store %arg4[%swap3A, %swap3A_19, %swap3A_20], %swap3A_23 {strides = array<i32>} : memref<4x152x256xf32, #tpu.memory_space<vmem>>, vector<1x152x256xf32>,
    %reduce_max3A = arith.constant dense<0xFF800000> : vector<256xf32>
    %reduce_max3A_24 = vector.multi_reduction <maximumf>, %select_n3A, %reduce_max3A [0] : vector<152x256xf32> to vector<256xf32>
    %broadcast_in_dim3A_25 = vector.shape_cast %reduce_max3A_24 : vector<256xf32> to vector<1x256xf32>
    %sub3A = vector.broadcast %broadcast_in_dim3A_25 : vector<1x256xf32> to vector<152x256xf32>
    %sub3A_26 = arith.subf %select_n3A, %sub3A : vector<152x256xf32>
    %exp3A = math.exp %sub3A_26 : vector<152x256xf32>
    %reduce_sum3A = arith.constant dense<0.000000e+00> : vector<256xf32>
    %reduce_sum3A_27 = vector.multi_reduction <add>, %exp3A, %reduce_sum3A [0] : vector<152x256xf32> to vector<256xf32>
    %broadcast_in_dim3A_28 = vector.shape_cast %reduce_sum3A_27 : vector<256xf32> to vector<1x256xf32>
    %div3A = vector.broadcast %broadcast_in_dim3A_28 : vector<1x256xf32> to vector<152x256xf32>
    %div3A_29 = arith.divf %exp3A, %div3A : vector<152x256xf32>
    %eq3A = arith.constant 0 : i32
    %eq3A_30 = vector.broadcast %eq3A : i32 to vector<152x256xi32>
    %eq3A_31 = arith.cmpi eq, %iota3A, %eq3A_30 : vector<152x256xi32>
    %jit3A_32 = arith.constant -1.000000e+00 : f32
    %broadcast_in_dim3A_33 = vector.broadcast %jit3A_32 : f32 to vector<152x256xf32>
    %select_n3A_34 = arith.select %eq3A_31, %broadcast_in_dim3A_33, %div3A_29 : vector<152x256xi1>, vector<152x256xf32>
    %ge3A_35 = arith.constant 151 : i32
    %ge3A_36 = vector.broadcast %ge3A_35 : i32 to vector<152x256xi32>
    %ge3A_37 = arith.cmpi sge, %iota3A, %ge3A_36 : vector<152x256xi32>
    %jit3A_38 = arith.constant -1.000000e+09 : f32
    %broadcast_in_dim3A_39 = vector.broadcast %jit3A_38 : f32 to vector<152x256xf32>
    %select_n3A_40 = arith.select %ge3A_37, %broadcast_in_dim3A_39, %select_n3A_34 : vector<152x256xi1>, vector<152x256xf32>
    %get3A_41 = arith.constant 0 : index
    %get3A_42 = arith.constant 0 : index
    %get3A_43 = vector.load %arg1[%get3A_41, %get3A_42] : memref<152x512xf32, #tpu.memory_space<vmem>>, vector<152x512xf32>
    %get3A_44 = arith.constant 1 : index
    %get3A_45 = arith.constant 0 : index
    %get3A_46 = arith.constant 0 : index
    %get3A_47 = vector.load %arg0[%get3A_44, %get3A_45, %get3A_46] : memref<4x512x256xf32, #tpu.memory_space<vmem>>, vector<1x512x256xf32>
    %get3A_48 = vector.shape_cast %get3A_47 : vector<1x512x256xf32> to vector<512x256xf32>
    %dot_general3A_49 = arith.constant dense<0.000000e+00> : vector<152x256xf32>
    %dot_general3A_50 = tpu.matmul %get3A_43, %get3A_48, %dot_general3A_49 {dimension_numbers = #tpu.dot_dimension_numbers<[1], [0], [0], [1], [0, 0, 1, 1], [], []>, transpose_lhs_hint = false} : vector<152x512xf32>, vector<512x256xf32>, vector<152x256xf32> -> vector<152x256xf32>
    %get3A_51 = arith.constant 0 : index
    %get3A_52 = arith.constant 0 : index
    %get3A_53 = vector.load %arg2[%get3A_51, %get3A_52] : memref<152x1xf32, #tpu.memory_space<vmem>>, vector<152x1xf32>
    %add3A_54 = vector.broadcast %get3A_53 : vector<152x1xf32> to vector<152x256xf32>
    %add3A_55 = arith.addf %dot_general3A_50, %add3A_54 : vector<152x256xf32>
    %ge3A_56 = arith.constant 151 : i32
    %ge3A_57 = vector.broadcast %ge3A_56 : i32 to vector<152x256xi32>
    %ge3A_58 = arith.cmpi sge, %iota3A, %ge3A_57 : vector<152x256xi32>
    %jit3A_59 = arith.constant -1.000000e+30 : f32
    %broadcast_in_dim3A_60 = vector.broadcast %jit3A_59 : f32 to vector<152x256xf32>
    %select_n3A_61 = arith.select %ge3A_58, %broadcast_in_dim3A_60, %add3A_55 : vector<152x256xi1>, vector<152x256xf32>
    %swap3A_62 = arith.constant 1 : index
    %swap3A_63 = arith.constant 0 : index
    %swap3A_64 = arith.constant 0 : index
    %swap3A_65 = vector.load %arg4[%swap3A_62, %swap3A_63, %swap3A_64] : memref<4x152x256xf32, #tpu.memory_space<vmem>>, vector<1x152x256xf32>
    %swap3A_66 = vector.shape_cast %swap3A_65 : vector<1x152x256xf32> to vector<152x256xf32>
    %swap3A_67 = vector.shape_cast %select_n3A_61 : vector<152x256xf32> to vector<1x152x256xf32>
    tpu.vector_store %arg4[%swap3A_62, %swap3A_63, %swap3A_64], %swap3A_67 {strides = array<i32>} : memref<4x152x256xf32, #tpu.memory_space<vmem>>, vector<1x152x256xf32>,
    %reduce_max3A_68 = arith.constant dense<0xFF800000> : vector<256xf32>
    %reduce_max3A_69 = vector.multi_reduction <maximumf>, %select_n3A_61, %reduce_max3A_68 [0] : vector<152x256xf32> to vector<256xf32>
    %broadcast_in_dim3A_70 = vector.shape_cast %reduce_max3A_69 : vector<256xf32> to vector<1x256xf32>
    %sub3A_71 = vector.broadcast %broadcast_in_dim3A_70 : vector<1x256xf32> to vector<152x256xf32>
    %sub3A_72 = arith.subf %select_n3A_61, %sub3A_71 : vector<152x256xf32>
    %exp3A_73 = math.exp %sub3A_72 : vector<152x256xf32>
    %reduce_sum3A_74 = arith.constant dense<0.000000e+00> : vector<256xf32>
    %reduce_sum3A_75 = vector.multi_reduction <add>, %exp3A_73, %reduce_sum3A_74 [0] : vector<152x256xf32> to vector<256xf32>
    %broadcast_in_dim3A_76 = vector.shape_cast %reduce_sum3A_75 : vector<256xf32> to vector<1x256xf32>
    %div3A_77 = vector.broadcast %broadcast_in_dim3A_76 : vector<1x256xf32> to vector<152x256xf32>
    %div3A_78 = arith.divf %exp3A_73, %div3A_77 : vector<152x256xf32>
    %eq3A_79 = arith.constant 0 : i32
    %eq3A_80 = vector.broadcast %eq3A_79 : i32 to vector<152x256xi32>
    %eq3A_81 = arith.cmpi eq, %iota3A, %eq3A_80 : vector<152x256xi32>
    %jit3A_82 = arith.constant -1.000000e+00 : f32
    %broadcast_in_dim3A_83 = vector.broadcast %jit3A_82 : f32 to vector<152x256xf32>
    %select_n3A_84 = arith.select %eq3A_81, %broadcast_in_dim3A_83, %div3A_78 : vector<152x256xi1>, vector<152x256xf32>
    %ge3A_85 = arith.constant 151 : i32
    %ge3A_86 = vector.broadcast %ge3A_85 : i32 to vector<152x256xi32>
    %ge3A_87 = arith.cmpi sge, %iota3A, %ge3A_86 : vector<152x256xi32>
    %jit3A_88 = arith.constant -1.000000e+09 : f32
    %broadcast_in_dim3A_89 = vector.broadcast %jit3A_88 : f32 to vector<152x256xf32>
    %select_n3A_90 = arith.select %ge3A_87, %broadcast_in_dim3A_89, %select_n3A_84 : vector<152x256xi1>, vector<152x256xf32>
    %get3A_91 = arith.constant 0 : index
    %get3A_92 = arith.constant 0 : index
    %get3A_93 = vector.load %arg1[%get3A_91, %get3A_92] : memref<152x512xf32, #tpu.memory_space<vmem>>, vector<152x512xf32>
    %get3A_94 = arith.constant 2 : index
    %get3A_95 = arith.constant 0 : index
    %get3A_96 = arith.constant 0 : index
    %get3A_97 = vector.load %arg0[%get3A_94, %get3A_95, %get3A_96] : memref<4x512x256xf32, #tpu.memory_space<vmem>>, vector<1x512x256xf32>
    %get3A_98 = vector.shape_cast %get3A_97 : vector<1x512x256xf32> to vector<512x256xf32>
    %dot_general3A_99 = arith.constant dense<0.000000e+00> : vector<152x256xf32>
    %dot_general3A_100 = tpu.matmul %get3A_93, %get3A_98, %dot_general3A_99 {dimension_numbers = #tpu.dot_dimension_numbers<[1], [0], [0], [1], [0, 0, 1, 1], [], []>, transpose_lhs_hint = false} : vector<152x512xf32>, vector<512x256xf32>, vector<152x256xf32> -> vector<152x256xf32>
    %get3A_101 = arith.constant 0 : index
    %get3A_102 = arith.constant 0 : index
    %get3A_103 = vector.load %arg2[%get3A_101, %get3A_102] : memref<152x1xf32, #tpu.memory_space<vmem>>, vector<152x1xf32>
    %add3A_104 = vector.broadcast %get3A_103 : vector<152x1xf32> to vector<152x256xf32>
    %add3A_105 = arith.addf %dot_general3A_100, %add3A_104 : vector<152x256xf32>
    %ge3A_106 = arith.constant 151 : i32
    %ge3A_107 = vector.broadcast %ge3A_106 : i32 to vector<152x256xi32>
    %ge3A_108 = arith.cmpi sge, %iota3A, %ge3A_107 : vector<152x256xi32>
    %jit3A_109 = arith.constant -1.000000e+30 : f32
    %broadcast_in_dim3A_110 = vector.broadcast %jit3A_109 : f32 to vector<152x256xf32>
    %select_n3A_111 = arith.select %ge3A_108, %broadcast_in_dim3A_110, %add3A_105 : vector<152x256xi1>, vector<152x256xf32>
    %swap3A_112 = arith.constant 2 : index
    %swap3A_113 = arith.constant 0 : index
    %swap3A_114 = arith.constant 0 : index
    %swap3A_115 = vector.load %arg4[%swap3A_112, %swap3A_113, %swap3A_114] : memref<4x152x256xf32, #tpu.memory_space<vmem>>, vector<1x152x256xf32>
    %swap3A_116 = vector.shape_cast %swap3A_115 : vector<1x152x256xf32> to vector<152x256xf32>
    %swap3A_117 = vector.shape_cast %select_n3A_111 : vector<152x256xf32> to vector<1x152x256xf32>
    tpu.vector_store %arg4[%swap3A_112, %swap3A_113, %swap3A_114], %swap3A_117 {strides = array<i32>} : memref<4x152x256xf32, #tpu.memory_space<vmem>>, vector<1x152x256xf32>,
    %reduce_max3A_118 = arith.constant dense<0xFF800000> : vector<256xf32>
    %reduce_max3A_119 = vector.multi_reduction <maximumf>, %select_n3A_111, %reduce_max3A_118 [0] : vector<152x256xf32> to vector<256xf32>
    %broadcast_in_dim3A_120 = vector.shape_cast %reduce_max3A_119 : vector<256xf32> to vector<1x256xf32>
    %sub3A_121 = vector.broadcast %broadcast_in_dim3A_120 : vector<1x256xf32> to vector<152x256xf32>
    %sub3A_122 = arith.subf %select_n3A_111, %sub3A_121 : vector<152x256xf32>
    %exp3A_123 = math.exp %sub3A_122 : vector<152x256xf32>
    %reduce_sum3A_124 = arith.constant dense<0.000000e+00> : vector<256xf32>
    %reduce_sum3A_125 = vector.multi_reduction <add>, %exp3A_123, %reduce_sum3A_124 [0] : vector<152x256xf32> to vector<256xf32>
    %broadcast_in_dim3A_126 = vector.shape_cast %reduce_sum3A_125 : vector<256xf32> to vector<1x256xf32>
    %div3A_127 = vector.broadcast %broadcast_in_dim3A_126 : vector<1x256xf32> to vector<152x256xf32>
    %div3A_128 = arith.divf %exp3A_123, %div3A_127 : vector<152x256xf32>
    %eq3A_129 = arith.constant 0 : i32
    %eq3A_130 = vector.broadcast %eq3A_129 : i32 to vector<152x256xi32>
    %eq3A_131 = arith.cmpi eq, %iota3A, %eq3A_130 : vector<152x256xi32>
    %jit3A_132 = arith.constant -1.000000e+00 : f32
    %broadcast_in_dim3A_133 = vector.broadcast %jit3A_132 : f32 to vector<152x256xf32>
    %select_n3A_134 = arith.select %eq3A_131, %broadcast_in_dim3A_133, %div3A_128 : vector<152x256xi1>, vector<152x256xf32>
    %ge3A_135 = arith.constant 151 : i32
    %ge3A_136 = vector.broadcast %ge3A_135 : i32 to vector<152x256xi32>
    %ge3A_137 = arith.cmpi sge, %iota3A, %ge3A_136 : vector<152x256xi32>
    %jit3A_138 = arith.constant -1.000000e+09 : f32
    %broadcast_in_dim3A_139 = vector.broadcast %jit3A_138 : f32 to vector<152x256xf32>
    %select_n3A_140 = arith.select %ge3A_137, %broadcast_in_dim3A_139, %select_n3A_134 : vector<152x256xi1>, vector<152x256xf32>
    %get3A_141 = arith.constant 0 : index
    %get3A_142 = arith.constant 0 : index
    %get3A_143 = vector.load %arg1[%get3A_141, %get3A_142] : memref<152x512xf32, #tpu.memory_space<vmem>>, vector<152x512xf32>
    %get3A_144 = arith.constant 3 : index
    %get3A_145 = arith.constant 0 : index
    %get3A_146 = arith.constant 0 : index
    %get3A_147 = vector.load %arg0[%get3A_144, %get3A_145, %get3A_146] : memref<4x512x256xf32, #tpu.memory_space<vmem>>, vector<1x512x256xf32>
    %get3A_148 = vector.shape_cast %get3A_147 : vector<1x512x256xf32> to vector<512x256xf32>
    %dot_general3A_149 = arith.constant dense<0.000000e+00> : vector<152x256xf32>
    %dot_general3A_150 = tpu.matmul %get3A_143, %get3A_148, %dot_general3A_149 {dimension_numbers = #tpu.dot_dimension_numbers<[1], [0], [0], [1], [0, 0, 1, 1], [], []>, transpose_lhs_hint = false} : vector<152x512xf32>, vector<512x256xf32>, vector<152x256xf32> -> vector<152x256xf32>
    %get3A_151 = arith.constant 0 : index
    %get3A_152 = arith.constant 0 : index
    %get3A_153 = vector.load %arg2[%get3A_151, %get3A_152] : memref<152x1xf32, #tpu.memory_space<vmem>>, vector<152x1xf32>
    %add3A_154 = vector.broadcast %get3A_153 : vector<152x1xf32> to vector<152x256xf32>
    %add3A_155 = arith.addf %dot_general3A_150, %add3A_154 : vector<152x256xf32>
    %ge3A_156 = arith.constant 151 : i32
    %ge3A_157 = vector.broadcast %ge3A_156 : i32 to vector<152x256xi32>
    %ge3A_158 = arith.cmpi sge, %iota3A, %ge3A_157 : vector<152x256xi32>
    %jit3A_159 = arith.constant -1.000000e+30 : f32
    %broadcast_in_dim3A_160 = vector.broadcast %jit3A_159 : f32 to vector<152x256xf32>
    %select_n3A_161 = arith.select %ge3A_158, %broadcast_in_dim3A_160, %add3A_155 : vector<152x256xi1>, vector<152x256xf32>
    %swap3A_162 = arith.constant 3 : index
    %swap3A_163 = arith.constant 0 : index
    %swap3A_164 = arith.constant 0 : index
    %swap3A_165 = vector.load %arg4[%swap3A_162, %swap3A_163, %swap3A_164] : memref<4x152x256xf32, #tpu.memory_space<vmem>>, vector<1x152x256xf32>
    %swap3A_166 = vector.shape_cast %swap3A_165 : vector<1x152x256xf32> to vector<152x256xf32>
    %swap3A_167 = vector.shape_cast %select_n3A_161 : vector<152x256xf32> to vector<1x152x256xf32>
    tpu.vector_store %arg4[%swap3A_162, %swap3A_163, %swap3A_164], %swap3A_167 {strides = array<i32>} : memref<4x152x256xf32, #tpu.memory_space<vmem>>, vector<1x152x256xf32>,
    %reduce_max3A_168 = arith.constant dense<0xFF800000> : vector<256xf32>
    %reduce_max3A_169 = vector.multi_reduction <maximumf>, %select_n3A_161, %reduce_max3A_168 [0] : vector<152x256xf32> to vector<256xf32>
    %broadcast_in_dim3A_170 = vector.shape_cast %reduce_max3A_169 : vector<256xf32> to vector<1x256xf32>
    %sub3A_171 = vector.broadcast %broadcast_in_dim3A_170 : vector<1x256xf32> to vector<152x256xf32>
    %sub3A_172 = arith.subf %select_n3A_161, %sub3A_171 : vector<152x256xf32>
    %exp3A_173 = math.exp %sub3A_172 : vector<152x256xf32>
    %reduce_sum3A_174 = arith.constant dense<0.000000e+00> : vector<256xf32>
    %reduce_sum3A_175 = vector.multi_reduction <add>, %exp3A_173, %reduce_sum3A_174 [0] : vector<152x256xf32> to vector<256xf32>
    %broadcast_in_dim3A_176 = vector.shape_cast %reduce_sum3A_175 : vector<256xf32> to vector<1x256xf32>
    %div3A_177 = vector.broadcast %broadcast_in_dim3A_176 : vector<1x256xf32> to vector<152x256xf32>
    %div3A_178 = arith.divf %exp3A_173, %div3A_177 : vector<152x256xf32>
    %eq3A_179 = arith.constant 0 : i32
    %eq3A_180 = vector.broadcast %eq3A_179 : i32 to vector<152x256xi32>
    %eq3A_181 = arith.cmpi eq, %iota3A, %eq3A_180 : vector<152x256xi32>
    %jit3A_182 = arith.constant -1.000000e+00 : f32
    %broadcast_in_dim3A_183 = vector.broadcast %jit3A_182 : f32 to vector<152x256xf32>
    %select_n3A_184 = arith.select %eq3A_181, %broadcast_in_dim3A_183, %div3A_178 : vector<152x256xi1>, vector<152x256xf32>
    %ge3A_185 = arith.constant 151 : i32
    %ge3A_186 = vector.broadcast %ge3A_185 : i32 to vector<152x256xi32>
    %ge3A_187 = arith.cmpi sge, %iota3A, %ge3A_186 : vector<152x256xi32>
    %jit3A_188 = arith.constant -1.000000e+09 : f32
    %broadcast_in_dim3A_189 = vector.broadcast %jit3A_188 : f32 to vector<152x256xf32>
    %select_n3A_190 = arith.select %ge3A_187, %broadcast_in_dim3A_189, %select_n3A_184 : vector<152x256xi1>, vector<152x256xf32>
    %broadcast_in_dim3A_191 = arith.constant 0 : i32
    %broadcast_in_dim3A_192 = vector.broadcast %broadcast_in_dim3A_191 : i32 to vector<1x256xi32>
    %broadcast_in_dim3A_193 = arith.constant 0 : i32
    %broadcast_in_dim3A_194 = vector.broadcast %broadcast_in_dim3A_193 : i32 to vector<1x256xi32>
    %broadcast_in_dim3A_195 = arith.constant 0 : i32
    %broadcast_in_dim3A_196 = vector.broadcast %broadcast_in_dim3A_195 : i32 to vector<1x256xi32>
    %broadcast_in_dim3A_197 = arith.constant 0 : i32
    %broadcast_in_dim3A_198 = vector.broadcast %broadcast_in_dim3A_197 : i32 to vector<1x256xi32>
    %scan3A = arith.constant 1073741824 : i32
    %scan3A_199 = arith.constant 0 : i32
    %scan3A_200 = arith.constant 256 : i32
    %scan3A_201 = arith.addi %scan3A_199, %scan3A_200 : i32
    %scan3A_202 = arith.constant 1 : i32
    %scan3A_203:8 = scf.for %scan3A_228 = %scan3A_199 to %scan3A_201 step %scan3A_202 iter_args(%scan3A_229 = %select_n3A_40, %scan3A_230 = %broadcast_in_dim3A_192, %scan3A_231 = %select_n3A_90, %scan3A_232 = %broadcast_in_dim3A_194, %scan3A_233 = %select_n3A_140, %scan3A_234 = %broadcast_in_dim3A_196, %scan3A_235 = %select_n3A_190, %scan3A_236 = %broadcast_in_dim3A_198) -> (vector<152x256xf32>, vector<1x256xi32>, vector<152x256xf32>, vector<1x256xi32>, vector<152x256xf32>, vector<1x256xi32>, vector<152x256xf32>, vector<1x256xi32>)  : i32 {
      %reduce_max3A_237 = arith.constant dense<0xFF800000> : vector<256xf32>
      %reduce_max3A_238 = vector.multi_reduction <maximumf>, %scan3A_229, %reduce_max3A_237 [0] : vector<152x256xf32> to vector<256xf32>
      %broadcast_in_dim3A_239 = vector.shape_cast %reduce_max3A_238 : vector<256xf32> to vector<1x256xf32>
      %reduce_max3A_240 = arith.constant dense<0xFF800000> : vector<1xf32>
      %reduce_max3A_241 = vector.multi_reduction <maximumf>, %broadcast_in_dim3A_239, %reduce_max3A_240 [1] : vector<1x256xf32> to vector<1xf32>
      %broadcast_in_dim3A_242 = vector.shape_cast %reduce_max3A_241 : vector<1xf32> to vector<1x1xf32>
      %eq3A_243 = vector.broadcast %broadcast_in_dim3A_242 : vector<1x1xf32> to vector<152x256xf32>
      %eq3A_244 = arith.cmpf oeq, %scan3A_229, %eq3A_243 : vector<152x256xf32>
      %broadcast_in_dim3A_245 = vector.broadcast %scan3A : i32 to vector<152x256xi32>
      %select_n3A_246 = arith.select %eq3A_244, %add3A, %broadcast_in_dim3A_245 : vector<152x256xi1>, vector<152x256xi32>
      %reduce_min3A = vector.shape_cast %select_n3A_246 : vector<152x256xi32> to vector<1x152x256xi32>
      %reduce_min3A_247 = arith.constant dense<2147483647> : vector<1xi32>
      %reduce_min3A_248 = vector.multi_reduction <minsi>, %reduce_min3A, %reduce_min3A_247 [1, 2] : vector<1x152x256xi32> to vector<1xi32>
      %reduce_min3A_249 = vector.shape_cast %reduce_min3A_248 : vector<1xi32> to vector<1x1x1xi32>
      %reduce_min3A_250 = vector.extract %reduce_min3A_249[0, 0, 0] : i32 from vector<1x1x1xi32>
      %convert_element_type3A = arith.sitofp %reduce_min3A_250 : i32 to f32
      %add3A_251 = arith.constant 5.000000e-01 : f32
      %add3A_252 = arith.addf %convert_element_type3A, %add3A_251 : f32
      %mul3A_253 = arith.constant 0.00657894742 : f32
      %mul3A_254 = arith.mulf %add3A_252, %mul3A_253 : f32
      %convert_element_type3A_255 = arith.fptosi %mul3A_254 : f32 to i32
      %mul3A_256 = arith.constant 152 : i32
      %mul3A_257 = arith.muli %convert_element_type3A_255, %mul3A_256 : i32
      %sub3A_258 = arith.subi %reduce_min3A_250, %mul3A_257 : i32
      %get3A_259 = arith.constant 0 : index
      %get3A_260 = arith.index_cast %sub3A_258 : i32 to index
      %get3A_261 = arith.constant 0 : index
      %get3A_262 = arith.constant 0 : index
      %get3A_263 = vector.load %arg3[%get3A_259, %get3A_260, %get3A_261, %get3A_262] : memref<4x152x4x256xf32, #tpu.memory_space<vmem>>, vector<1x1x4x256xf32>
      %get3A_264 = vector.shape_cast %get3A_263 : vector<1x1x4x256xf32> to vector<4x256xf32>
      %slice3A = vector.extract_strided_slice %get3A_264 {offsets = [0, 0], sizes = [1, 256], strides = [1, 1]} : vector<4x256xf32> to vector<1x256xf32>
      %slice3A_265 = vector.extract_strided_slice %get3A_264 {offsets = [1, 0], sizes = [1, 256], strides = [1, 1]} : vector<4x256xf32> to vector<1x256xf32>
      %slice3A_266 = vector.extract_strided_slice %get3A_264 {offsets = [2, 0], sizes = [1, 256], strides = [1, 1]} : vector<4x256xf32> to vector<1x256xf32>
      %slice3A_267 = vector.extract_strided_slice %get3A_264 {offsets = [3, 0], sizes = [1, 256], strides = [1, 1]} : vector<4x256xf32> to vector<1x256xf32>
      %eq3A_268 = vector.broadcast %convert_element_type3A_255 : i32 to vector<1x256xi32>
      %eq3A_269 = arith.cmpi eq, %iota3A_1, %eq3A_268 : vector<1x256xi32>
      %jit3A_270 = arith.constant 0.000000e+00 : f32
      %broadcast_in_dim3A_271 = vector.broadcast %jit3A_270 : f32 to vector<1x256xf32>
      %select_n3A_272 = arith.select %eq3A_269, %slice3A, %broadcast_in_dim3A_271 : vector<1x256xi1>, vector<1x256xf32>
      %reduce_sum3A_273 = arith.constant dense<0.000000e+00> : vector<1xf32>
      %reduce_sum3A_274 = vector.multi_reduction <add>, %select_n3A_272, %reduce_sum3A_273 [1] : vector<1x256xf32> to vector<1xf32>
      %broadcast_in_dim3A_275 = vector.shape_cast %reduce_sum3A_274 : vector<1xf32> to vector<1x1xf32>
      %jit3A_276 = arith.constant 0.000000e+00 : f32
      %broadcast_in_dim3A_277 = vector.broadcast %jit3A_276 : f32 to vector<1x256xf32>
      %select_n3A_278 = arith.select %eq3A_269, %slice3A_265, %broadcast_in_dim3A_277 : vector<1x256xi1>, vector<1x256xf32>
      %reduce_sum3A_279 = arith.constant dense<0.000000e+00> : vector<1xf32>
      %reduce_sum3A_280 = vector.multi_reduction <add>, %select_n3A_278, %reduce_sum3A_279 [1] : vector<1x256xf32> to vector<1xf32>
      %broadcast_in_dim3A_281 = vector.shape_cast %reduce_sum3A_280 : vector<1xf32> to vector<1x1xf32>
      %jit3A_282 = arith.constant 0.000000e+00 : f32
      %broadcast_in_dim3A_283 = vector.broadcast %jit3A_282 : f32 to vector<1x256xf32>
      %select_n3A_284 = arith.select %eq3A_269, %slice3A_266, %broadcast_in_dim3A_283 : vector<1x256xi1>, vector<1x256xf32>
      %reduce_sum3A_285 = arith.constant dense<0.000000e+00> : vector<1xf32>
      %reduce_sum3A_286 = vector.multi_reduction <add>, %select_n3A_284, %reduce_sum3A_285 [1] : vector<1x256xf32> to vector<1xf32>
      %broadcast_in_dim3A_287 = vector.shape_cast %reduce_sum3A_286 : vector<1xf32> to vector<1x1xf32>
      %jit3A_288 = arith.constant 0.000000e+00 : f32
      %broadcast_in_dim3A_289 = vector.broadcast %jit3A_288 : f32 to vector<1x256xf32>
      %select_n3A_290 = arith.select %eq3A_269, %slice3A_267, %broadcast_in_dim3A_289 : vector<1x256xi1>, vector<1x256xf32>
      %reduce_sum3A_291 = arith.constant dense<0.000000e+00> : vector<1xf32>
      %reduce_sum3A_292 = vector.multi_reduction <add>, %select_n3A_290, %reduce_sum3A_291 [1] : vector<1x256xf32> to vector<1xf32>
      %broadcast_in_dim3A_293 = vector.shape_cast %reduce_sum3A_292 : vector<1xf32> to vector<1x1xf32>
      %min3A = vector.broadcast %broadcast_in_dim3A_287 : vector<1x1xf32> to vector<1x256xf32>
      %min3A_294 = arith.minimumf %min3A, %slice3A_266 : vector<1x256xf32>
      %max3A = vector.broadcast %broadcast_in_dim3A_275 : vector<1x1xf32> to vector<1x256xf32>
      %max3A_295 = arith.maximumf %max3A, %slice3A : vector<1x256xf32>
      %sub3A_296 = arith.subf %min3A_294, %max3A_295 : vector<1x256xf32>
      %add3A_297 = arith.constant 1.000000e+00 : f32
      %add3A_298 = vector.broadcast %add3A_297 : f32 to vector<1x256xf32>
      %add3A_299 = arith.addf %sub3A_296, %add3A_298 : vector<1x256xf32>
      %max3A_300 = arith.constant 0.000000e+00 : f32
      %max3A_301 = vector.broadcast %max3A_300 : f32 to vector<1x256xf32>
      %max3A_302 = arith.maximumf %add3A_299, %max3A_301 : vector<1x256xf32>
      %min3A_303 = vector.broadcast %broadcast_in_dim3A_293 : vector<1x1xf32> to vector<1x256xf32>
      %min3A_304 = arith.minimumf %min3A_303, %slice3A_267 : vector<1x256xf32>
      %max3A_305 = vector.broadcast %broadcast_in_dim3A_281 : vector<1x1xf32> to vector<1x256xf32>
      %max3A_306 = arith.maximumf %max3A_305, %slice3A_265 : vector<1x256xf32>
      %sub3A_307 = arith.subf %min3A_304, %max3A_306 : vector<1x256xf32>
      %add3A_308 = arith.constant 1.000000e+00 : f32
      %add3A_309 = vector.broadcast %add3A_308 : f32 to vector<1x256xf32>
      %add3A_310 = arith.addf %sub3A_307, %add3A_309 : vector<1x256xf32>
      %max3A_311 = arith.constant 0.000000e+00 : f32
      %max3A_312 = vector.broadcast %max3A_311 : f32 to vector<1x256xf32>
      %max3A_313 = arith.maximumf %add3A_310, %max3A_312 : vector<1x256xf32>
      %mul3A_314 = arith.mulf %max3A_302, %max3A_313 : vector<1x256xf32>
      %sub3A_315 = arith.subf %slice3A_266, %slice3A : vector<1x256xf32>
      %add3A_316 = arith.constant 1.000000e+00 : f32
      %add3A_317 = vector.broadcast %add3A_316 : f32 to vector<1x256xf32>
      %add3A_318 = arith.addf %sub3A_315, %add3A_317 : vector<1x256xf32>
      %sub3A_319 = arith.subf %slice3A_267, %slice3A_265 : vector<1x256xf32>
      %add3A_320 = arith.constant 1.000000e+00 : f32
      %add3A_321 = vector.broadcast %add3A_320 : f32 to vector<1x256xf32>
      %add3A_322 = arith.addf %sub3A_319, %add3A_321 : vector<1x256xf32>
      %mul3A_323 = arith.mulf %add3A_318, %add3A_322 : vector<1x256xf32>
      %sub3A_324 = arith.subf %broadcast_in_dim3A_287, %broadcast_in_dim3A_275 : vector<1x1xf32>
      %add3A_325 = arith.constant 1.000000e+00 : f32
      %add3A_326 = vector.broadcast %add3A_325 : f32 to vector<1x1xf32>
      %add3A_327 = arith.addf %sub3A_324, %add3A_326 : vector<1x1xf32>
      %sub3A_328 = arith.subf %broadcast_in_dim3A_293, %broadcast_in_dim3A_281 : vector<1x1xf32>
      %add3A_329 = arith.constant 1.000000e+00 : f32
      %add3A_330 = vector.broadcast %add3A_329 : f32 to vector<1x1xf32>
      %add3A_331 = arith.addf %sub3A_328, %add3A_330 : vector<1x1xf32>
      %mul3A_332 = arith.mulf %add3A_327, %add3A_331 : vector<1x1xf32>
      %add3A_333 = vector.broadcast %mul3A_332 : vector<1x1xf32> to vector<1x256xf32>
      %add3A_334 = arith.addf %add3A_333, %mul3A_323 : vector<1x256xf32>
      %sub3A_335 = arith.subf %add3A_334, %mul3A_314 : vector<1x256xf32>
      %div3A_336 = arith.divf %mul3A_314, %sub3A_335 : vector<1x256xf32>
      %ge3A_337 = arith.constant 5.000000e-01 : f32
      %ge3A_338 = vector.broadcast %ge3A_337 : f32 to vector<1x256xf32>
      %ge3A_339 = arith.cmpf oge, %div3A_336, %ge3A_338 : vector<1x256xf32>
      %eq3A_340 = vector.broadcast %sub3A_258 : i32 to vector<152x256xi32>
      %eq3A_341 = arith.cmpi eq, %iota3A, %eq3A_340 : vector<152x256xi32>
      %and3A = vector.broadcast %ge3A_339 : vector<1x256xi1> to vector<152x256xi1>
      %and3A_342 = arith.andi %eq3A_341, %and3A : vector<152x256xi1>
      %jit3A_343 = arith.constant 0.000000e+00 : f32
      %broadcast_in_dim3A_344 = vector.broadcast %jit3A_343 : f32 to vector<152x256xf32>
      %select_n3A_345 = arith.select %and3A_342, %broadcast_in_dim3A_344, %scan3A_229 : vector<152x256xi1>, vector<152x256xf32>
      %eq3A_346 = vector.broadcast %convert_element_type3A_255 : i32 to vector<152x256xi32>
      %eq3A_347 = arith.cmpi eq, %iota3A_0, %eq3A_346 : vector<152x256xi32>
      %jit3A_348 = arith.constant -1.000000e+00 : f32
      %broadcast_in_dim3A_349 = vector.broadcast %jit3A_348 : f32 to vector<152x256xf32>
      %select_n3A_350 = arith.select %eq3A_347, %broadcast_in_dim3A_349, %select_n3A_345 : vector<152x256xi1>, vector<152x256xf32>
      %broadcast_in_dim3A_351 = vector.broadcast %sub3A_258 : i32 to vector<1x256xi32>
      %select_n3A_352 = arith.select %eq3A_269, %broadcast_in_dim3A_351, %scan3A_230 : vector<1x256xi1>, vector<1x256xi32>
      %reduce_max3A_353 = arith.constant dense<0xFF800000> : vector<256xf32>
      %reduce_max3A_354 = vector.multi_reduction <maximumf>, %scan3A_231, %reduce_max3A_353 [0] : vector<152x256xf32> to vector<256xf32>
      %broadcast_in_dim3A_355 = vector.shape_cast %reduce_max3A_354 : vector<256xf32> to vector<1x256xf32>
      %reduce_max3A_356 = arith.constant dense<0xFF800000> : vector<1xf32>
      %reduce_max3A_357 = vector.multi_reduction <maximumf>, %broadcast_in_dim3A_355, %reduce_max3A_356 [1] : vector<1x256xf32> to vector<1xf32>
      %broadcast_in_dim3A_358 = vector.shape_cast %reduce_max3A_357 : vector<1xf32> to vector<1x1xf32>
      %eq3A_359 = vector.broadcast %broadcast_in_dim3A_358 : vector<1x1xf32> to vector<152x256xf32>
      %eq3A_360 = arith.cmpf oeq, %scan3A_231, %eq3A_359 : vector<152x256xf32>
      %broadcast_in_dim3A_361 = vector.broadcast %scan3A : i32 to vector<152x256xi32>
      %select_n3A_362 = arith.select %eq3A_360, %add3A, %broadcast_in_dim3A_361 : vector<152x256xi1>, vector<152x256xi32>
      %reduce_min3A_363 = vector.shape_cast %select_n3A_362 : vector<152x256xi32> to vector<1x152x256xi32>
      %reduce_min3A_364 = arith.constant dense<2147483647> : vector<1xi32>
      %reduce_min3A_365 = vector.multi_reduction <minsi>, %reduce_min3A_363, %reduce_min3A_364 [1, 2] : vector<1x152x256xi32> to vector<1xi32>
      %reduce_min3A_366 = vector.shape_cast %reduce_min3A_365 : vector<1xi32> to vector<1x1x1xi32>
      %reduce_min3A_367 = vector.extract %reduce_min3A_366[0, 0, 0] : i32 from vector<1x1x1xi32>
      %convert_element_type3A_368 = arith.sitofp %reduce_min3A_367 : i32 to f32
      %add3A_369 = arith.constant 5.000000e-01 : f32
      %add3A_370 = arith.addf %convert_element_type3A_368, %add3A_369 : f32
      %mul3A_371 = arith.constant 0.00657894742 : f32
      %mul3A_372 = arith.mulf %add3A_370, %mul3A_371 : f32
      %convert_element_type3A_373 = arith.fptosi %mul3A_372 : f32 to i32
      %mul3A_374 = arith.constant 152 : i32
      %mul3A_375 = arith.muli %convert_element_type3A_373, %mul3A_374 : i32
      %sub3A_376 = arith.subi %reduce_min3A_367, %mul3A_375 : i32
      %get3A_377 = arith.constant 1 : index
      %get3A_378 = arith.index_cast %sub3A_376 : i32 to index
      %get3A_379 = arith.constant 0 : index
      %get3A_380 = arith.constant 0 : index
      %get3A_381 = vector.load %arg3[%get3A_377, %get3A_378, %get3A_379, %get3A_380] : memref<4x152x4x256xf32, #tpu.memory_space<vmem>>, vector<1x1x4x256xf32>
      %get3A_382 = vector.shape_cast %get3A_381 : vector<1x1x4x256xf32> to vector<4x256xf32>
      %slice3A_383 = vector.extract_strided_slice %get3A_382 {offsets = [0, 0], sizes = [1, 256], strides = [1, 1]} : vector<4x256xf32> to vector<1x256xf32>
      %slice3A_384 = vector.extract_strided_slice %get3A_382 {offsets = [1, 0], sizes = [1, 256], strides = [1, 1]} : vector<4x256xf32> to vector<1x256xf32>
      %slice3A_385 = vector.extract_strided_slice %get3A_382 {offsets = [2, 0], sizes = [1, 256], strides = [1, 1]} : vector<4x256xf32> to vector<1x256xf32>
      %slice3A_386 = vector.extract_strided_slice %get3A_382 {offsets = [3, 0], sizes = [1, 256], strides = [1, 1]} : vector<4x256xf32> to vector<1x256xf32>
      %eq3A_387 = vector.broadcast %convert_element_type3A_373 : i32 to vector<1x256xi32>
      %eq3A_388 = arith.cmpi eq, %iota3A_1, %eq3A_387 : vector<1x256xi32>
      %jit3A_389 = arith.constant 0.000000e+00 : f32
      %broadcast_in_dim3A_390 = vector.broadcast %jit3A_389 : f32 to vector<1x256xf32>
      %select_n3A_391 = arith.select %eq3A_388, %slice3A_383, %broadcast_in_dim3A_390 : vector<1x256xi1>, vector<1x256xf32>
      %reduce_sum3A_392 = arith.constant dense<0.000000e+00> : vector<1xf32>
      %reduce_sum3A_393 = vector.multi_reduction <add>, %select_n3A_391, %reduce_sum3A_392 [1] : vector<1x256xf32> to vector<1xf32>
      %broadcast_in_dim3A_394 = vector.shape_cast %reduce_sum3A_393 : vector<1xf32> to vector<1x1xf32>
      %jit3A_395 = arith.constant 0.000000e+00 : f32
      %broadcast_in_dim3A_396 = vector.broadcast %jit3A_395 : f32 to vector<1x256xf32>
      %select_n3A_397 = arith.select %eq3A_388, %slice3A_384, %broadcast_in_dim3A_396 : vector<1x256xi1>, vector<1x256xf32>
      %reduce_sum3A_398 = arith.constant dense<0.000000e+00> : vector<1xf32>
      %reduce_sum3A_399 = vector.multi_reduction <add>, %select_n3A_397, %reduce_sum3A_398 [1] : vector<1x256xf32> to vector<1xf32>
      %broadcast_in_dim3A_400 = vector.shape_cast %reduce_sum3A_399 : vector<1xf32> to vector<1x1xf32>
      %jit3A_401 = arith.constant 0.000000e+00 : f32
      %broadcast_in_dim3A_402 = vector.broadcast %jit3A_401 : f32 to vector<1x256xf32>
      %select_n3A_403 = arith.select %eq3A_388, %slice3A_385, %broadcast_in_dim3A_402 : vector<1x256xi1>, vector<1x256xf32>
      %reduce_sum3A_404 = arith.constant dense<0.000000e+00> : vector<1xf32>
      %reduce_sum3A_405 = vector.multi_reduction <add>, %select_n3A_403, %reduce_sum3A_404 [1] : vector<1x256xf32> to vector<1xf32>
      %broadcast_in_dim3A_406 = vector.shape_cast %reduce_sum3A_405 : vector<1xf32> to vector<1x1xf32>
      %jit3A_407 = arith.constant 0.000000e+00 : f32
      %broadcast_in_dim3A_408 = vector.broadcast %jit3A_407 : f32 to vector<1x256xf32>
      %select_n3A_409 = arith.select %eq3A_388, %slice3A_386, %broadcast_in_dim3A_408 : vector<1x256xi1>, vector<1x256xf32>
      %reduce_sum3A_410 = arith.constant dense<0.000000e+00> : vector<1xf32>
      %reduce_sum3A_411 = vector.multi_reduction <add>, %select_n3A_409, %reduce_sum3A_410 [1] : vector<1x256xf32> to vector<1xf32>
      %broadcast_in_dim3A_412 = vector.shape_cast %reduce_sum3A_411 : vector<1xf32> to vector<1x1xf32>
      %min3A_413 = vector.broadcast %broadcast_in_dim3A_406 : vector<1x1xf32> to vector<1x256xf32>
      %min3A_414 = arith.minimumf %min3A_413, %slice3A_385 : vector<1x256xf32>
      %max3A_415 = vector.broadcast %broadcast_in_dim3A_394 : vector<1x1xf32> to vector<1x256xf32>
      %max3A_416 = arith.maximumf %max3A_415, %slice3A_383 : vector<1x256xf32>
      %sub3A_417 = arith.subf %min3A_414, %max3A_416 : vector<1x256xf32>
      %add3A_418 = arith.constant 1.000000e+00 : f32
      %add3A_419 = vector.broadcast %add3A_418 : f32 to vector<1x256xf32>
      %add3A_420 = arith.addf %sub3A_417, %add3A_419 : vector<1x256xf32>
      %max3A_421 = arith.constant 0.000000e+00 : f32
      %max3A_422 = vector.broadcast %max3A_421 : f32 to vector<1x256xf32>
      %max3A_423 = arith.maximumf %add3A_420, %max3A_422 : vector<1x256xf32>
      %min3A_424 = vector.broadcast %broadcast_in_dim3A_412 : vector<1x1xf32> to vector<1x256xf32>
      %min3A_425 = arith.minimumf %min3A_424, %slice3A_386 : vector<1x256xf32>
      %max3A_426 = vector.broadcast %broadcast_in_dim3A_400 : vector<1x1xf32> to vector<1x256xf32>
      %max3A_427 = arith.maximumf %max3A_426, %slice3A_384 : vector<1x256xf32>
      %sub3A_428 = arith.subf %min3A_425, %max3A_427 : vector<1x256xf32>
      %add3A_429 = arith.constant 1.000000e+00 : f32
      %add3A_430 = vector.broadcast %add3A_429 : f32 to vector<1x256xf32>
      %add3A_431 = arith.addf %sub3A_428, %add3A_430 : vector<1x256xf32>
      %max3A_432 = arith.constant 0.000000e+00 : f32
      %max3A_433 = vector.broadcast %max3A_432 : f32 to vector<1x256xf32>
      %max3A_434 = arith.maximumf %add3A_431, %max3A_433 : vector<1x256xf32>
      %mul3A_435 = arith.mulf %max3A_423, %max3A_434 : vector<1x256xf32>
      %sub3A_436 = arith.subf %slice3A_385, %slice3A_383 : vector<1x256xf32>
      %add3A_437 = arith.constant 1.000000e+00 : f32
      %add3A_438 = vector.broadcast %add3A_437 : f32 to vector<1x256xf32>
      %add3A_439 = arith.addf %sub3A_436, %add3A_438 : vector<1x256xf32>
      %sub3A_440 = arith.subf %slice3A_386, %slice3A_384 : vector<1x256xf32>
      %add3A_441 = arith.constant 1.000000e+00 : f32
      %add3A_442 = vector.broadcast %add3A_441 : f32 to vector<1x256xf32>
      %add3A_443 = arith.addf %sub3A_440, %add3A_442 : vector<1x256xf32>
      %mul3A_444 = arith.mulf %add3A_439, %add3A_443 : vector<1x256xf32>
      %sub3A_445 = arith.subf %broadcast_in_dim3A_406, %broadcast_in_dim3A_394 : vector<1x1xf32>
      %add3A_446 = arith.constant 1.000000e+00 : f32
      %add3A_447 = vector.broadcast %add3A_446 : f32 to vector<1x1xf32>
      %add3A_448 = arith.addf %sub3A_445, %add3A_447 : vector<1x1xf32>
      %sub3A_449 = arith.subf %broadcast_in_dim3A_412, %broadcast_in_dim3A_400 : vector<1x1xf32>
      %add3A_450 = arith.constant 1.000000e+00 : f32
      %add3A_451 = vector.broadcast %add3A_450 : f32 to vector<1x1xf32>
      %add3A_452 = arith.addf %sub3A_449, %add3A_451 : vector<1x1xf32>
      %mul3A_453 = arith.mulf %add3A_448, %add3A_452 : vector<1x1xf32>
      %add3A_454 = vector.broadcast %mul3A_453 : vector<1x1xf32> to vector<1x256xf32>
      %add3A_455 = arith.addf %add3A_454, %mul3A_444 : vector<1x256xf32>
      %sub3A_456 = arith.subf %add3A_455, %mul3A_435 : vector<1x256xf32>
      %div3A_457 = arith.divf %mul3A_435, %sub3A_456 : vector<1x256xf32>
      %ge3A_458 = arith.constant 5.000000e-01 : f32
      %ge3A_459 = vector.broadcast %ge3A_458 : f32 to vector<1x256xf32>
      %ge3A_460 = arith.cmpf oge, %div3A_457, %ge3A_459 : vector<1x256xf32>
      %eq3A_461 = vector.broadcast %sub3A_376 : i32 to vector<152x256xi32>
      %eq3A_462 = arith.cmpi eq, %iota3A, %eq3A_461 : vector<152x256xi32>
      %and3A_463 = vector.broadcast %ge3A_460 : vector<1x256xi1> to vector<152x256xi1>
      %and3A_464 = arith.andi %eq3A_462, %and3A_463 : vector<152x256xi1>
      %jit3A_465 = arith.constant 0.000000e+00 : f32
      %broadcast_in_dim3A_466 = vector.broadcast %jit3A_465 : f32 to vector<152x256xf32>
      %select_n3A_467 = arith.select %and3A_464, %broadcast_in_dim3A_466, %scan3A_231 : vector<152x256xi1>, vector<152x256xf32>
      %eq3A_468 = vector.broadcast %convert_element_type3A_373 : i32 to vector<152x256xi32>
      %eq3A_469 = arith.cmpi eq, %iota3A_0, %eq3A_468 : vector<152x256xi32>
      %jit3A_470 = arith.constant -1.000000e+00 : f32
      %broadcast_in_dim3A_471 = vector.broadcast %jit3A_470 : f32 to vector<152x256xf32>
      %select_n3A_472 = arith.select %eq3A_469, %broadcast_in_dim3A_471, %select_n3A_467 : vector<152x256xi1>, vector<152x256xf32>
      %broadcast_in_dim3A_473 = vector.broadcast %sub3A_376 : i32 to vector<1x256xi32>
      %select_n3A_474 = arith.select %eq3A_388, %broadcast_in_dim3A_473, %scan3A_232 : vector<1x256xi1>, vector<1x256xi32>
      %reduce_max3A_475 = arith.constant dense<0xFF800000> : vector<256xf32>
      %reduce_max3A_476 = vector.multi_reduction <maximumf>, %scan3A_233, %reduce_max3A_475 [0] : vector<152x256xf32> to vector<256xf32>
      %broadcast_in_dim3A_477 = vector.shape_cast %reduce_max3A_476 : vector<256xf32> to vector<1x256xf32>
      %reduce_max3A_478 = arith.constant dense<0xFF800000> : vector<1xf32>
      %reduce_max3A_479 = vector.multi_reduction <maximumf>, %broadcast_in_dim3A_477, %reduce_max3A_478 [1] : vector<1x256xf32> to vector<1xf32>
      %broadcast_in_dim3A_480 = vector.shape_cast %reduce_max3A_479 : vector<1xf32> to vector<1x1xf32>
      %eq3A_481 = vector.broadcast %broadcast_in_dim3A_480 : vector<1x1xf32> to vector<152x256xf32>
      %eq3A_482 = arith.cmpf oeq, %scan3A_233, %eq3A_481 : vector<152x256xf32>
      %broadcast_in_dim3A_483 = vector.broadcast %scan3A : i32 to vector<152x256xi32>
      %select_n3A_484 = arith.select %eq3A_482, %add3A, %broadcast_in_dim3A_483 : vector<152x256xi1>, vector<152x256xi32>
      %reduce_min3A_485 = vector.shape_cast %select_n3A_484 : vector<152x256xi32> to vector<1x152x256xi32>
      %reduce_min3A_486 = arith.constant dense<2147483647> : vector<1xi32>
      %reduce_min3A_487 = vector.multi_reduction <minsi>, %reduce_min3A_485, %reduce_min3A_486 [1, 2] : vector<1x152x256xi32> to vector<1xi32>
      %reduce_min3A_488 = vector.shape_cast %reduce_min3A_487 : vector<1xi32> to vector<1x1x1xi32>
      %reduce_min3A_489 = vector.extract %reduce_min3A_488[0, 0, 0] : i32 from vector<1x1x1xi32>
      %convert_element_type3A_490 = arith.sitofp %reduce_min3A_489 : i32 to f32
      %add3A_491 = arith.constant 5.000000e-01 : f32
      %add3A_492 = arith.addf %convert_element_type3A_490, %add3A_491 : f32
      %mul3A_493 = arith.constant 0.00657894742 : f32
      %mul3A_494 = arith.mulf %add3A_492, %mul3A_493 : f32
      %convert_element_type3A_495 = arith.fptosi %mul3A_494 : f32 to i32
      %mul3A_496 = arith.constant 152 : i32
      %mul3A_497 = arith.muli %convert_element_type3A_495, %mul3A_496 : i32
      %sub3A_498 = arith.subi %reduce_min3A_489, %mul3A_497 : i32
      %get3A_499 = arith.constant 2 : index
      %get3A_500 = arith.index_cast %sub3A_498 : i32 to index
      %get3A_501 = arith.constant 0 : index
      %get3A_502 = arith.constant 0 : index
      %get3A_503 = vector.load %arg3[%get3A_499, %get3A_500, %get3A_501, %get3A_502] : memref<4x152x4x256xf32, #tpu.memory_space<vmem>>, vector<1x1x4x256xf32>
      %get3A_504 = vector.shape_cast %get3A_503 : vector<1x1x4x256xf32> to vector<4x256xf32>
      %slice3A_505 = vector.extract_strided_slice %get3A_504 {offsets = [0, 0], sizes = [1, 256], strides = [1, 1]} : vector<4x256xf32> to vector<1x256xf32>
      %slice3A_506 = vector.extract_strided_slice %get3A_504 {offsets = [1, 0], sizes = [1, 256], strides = [1, 1]} : vector<4x256xf32> to vector<1x256xf32>
      %slice3A_507 = vector.extract_strided_slice %get3A_504 {offsets = [2, 0], sizes = [1, 256], strides = [1, 1]} : vector<4x256xf32> to vector<1x256xf32>
      %slice3A_508 = vector.extract_strided_slice %get3A_504 {offsets = [3, 0], sizes = [1, 256], strides = [1, 1]} : vector<4x256xf32> to vector<1x256xf32>
      %eq3A_509 = vector.broadcast %convert_element_type3A_495 : i32 to vector<1x256xi32>
      %eq3A_510 = arith.cmpi eq, %iota3A_1, %eq3A_509 : vector<1x256xi32>
      %jit3A_511 = arith.constant 0.000000e+00 : f32
      %broadcast_in_dim3A_512 = vector.broadcast %jit3A_511 : f32 to vector<1x256xf32>
      %select_n3A_513 = arith.select %eq3A_510, %slice3A_505, %broadcast_in_dim3A_512 : vector<1x256xi1>, vector<1x256xf32>
      %reduce_sum3A_514 = arith.constant dense<0.000000e+00> : vector<1xf32>
      %reduce_sum3A_515 = vector.multi_reduction <add>, %select_n3A_513, %reduce_sum3A_514 [1] : vector<1x256xf32> to vector<1xf32>
      %broadcast_in_dim3A_516 = vector.shape_cast %reduce_sum3A_515 : vector<1xf32> to vector<1x1xf32>
      %jit3A_517 = arith.constant 0.000000e+00 : f32
      %broadcast_in_dim3A_518 = vector.broadcast %jit3A_517 : f32 to vector<1x256xf32>
      %select_n3A_519 = arith.select %eq3A_510, %slice3A_506, %broadcast_in_dim3A_518 : vector<1x256xi1>, vector<1x256xf32>
      %reduce_sum3A_520 = arith.constant dense<0.000000e+00> : vector<1xf32>
      %reduce_sum3A_521 = vector.multi_reduction <add>, %select_n3A_519, %reduce_sum3A_520 [1] : vector<1x256xf32> to vector<1xf32>
      %broadcast_in_dim3A_522 = vector.shape_cast %reduce_sum3A_521 : vector<1xf32> to vector<1x1xf32>
      %jit3A_523 = arith.constant 0.000000e+00 : f32
      %broadcast_in_dim3A_524 = vector.broadcast %jit3A_523 : f32 to vector<1x256xf32>
      %select_n3A_525 = arith.select %eq3A_510, %slice3A_507, %broadcast_in_dim3A_524 : vector<1x256xi1>, vector<1x256xf32>
      %reduce_sum3A_526 = arith.constant dense<0.000000e+00> : vector<1xf32>
      %reduce_sum3A_527 = vector.multi_reduction <add>, %select_n3A_525, %reduce_sum3A_526 [1] : vector<1x256xf32> to vector<1xf32>
      %broadcast_in_dim3A_528 = vector.shape_cast %reduce_sum3A_527 : vector<1xf32> to vector<1x1xf32>
      %jit3A_529 = arith.constant 0.000000e+00 : f32
      %broadcast_in_dim3A_530 = vector.broadcast %jit3A_529 : f32 to vector<1x256xf32>
      %select_n3A_531 = arith.select %eq3A_510, %slice3A_508, %broadcast_in_dim3A_530 : vector<1x256xi1>, vector<1x256xf32>
      %reduce_sum3A_532 = arith.constant dense<0.000000e+00> : vector<1xf32>
      %reduce_sum3A_533 = vector.multi_reduction <add>, %select_n3A_531, %reduce_sum3A_532 [1] : vector<1x256xf32> to vector<1xf32>
      %broadcast_in_dim3A_534 = vector.shape_cast %reduce_sum3A_533 : vector<1xf32> to vector<1x1xf32>
      %min3A_535 = vector.broadcast %broadcast_in_dim3A_528 : vector<1x1xf32> to vector<1x256xf32>
      %min3A_536 = arith.minimumf %min3A_535, %slice3A_507 : vector<1x256xf32>
      %max3A_537 = vector.broadcast %broadcast_in_dim3A_516 : vector<1x1xf32> to vector<1x256xf32>
      %max3A_538 = arith.maximumf %max3A_537, %slice3A_505 : vector<1x256xf32>
      %sub3A_539 = arith.subf %min3A_536, %max3A_538 : vector<1x256xf32>
      %add3A_540 = arith.constant 1.000000e+00 : f32
      %add3A_541 = vector.broadcast %add3A_540 : f32 to vector<1x256xf32>
      %add3A_542 = arith.addf %sub3A_539, %add3A_541 : vector<1x256xf32>
      %max3A_543 = arith.constant 0.000000e+00 : f32
      %max3A_544 = vector.broadcast %max3A_543 : f32 to vector<1x256xf32>
      %max3A_545 = arith.maximumf %add3A_542, %max3A_544 : vector<1x256xf32>
      %min3A_546 = vector.broadcast %broadcast_in_dim3A_534 : vector<1x1xf32> to vector<1x256xf32>
      %min3A_547 = arith.minimumf %min3A_546, %slice3A_508 : vector<1x256xf32>
      %max3A_548 = vector.broadcast %broadcast_in_dim3A_522 : vector<1x1xf32> to vector<1x256xf32>
      %max3A_549 = arith.maximumf %max3A_548, %slice3A_506 : vector<1x256xf32>
      %sub3A_550 = arith.subf %min3A_547, %max3A_549 : vector<1x256xf32>
      %add3A_551 = arith.constant 1.000000e+00 : f32
      %add3A_552 = vector.broadcast %add3A_551 : f32 to vector<1x256xf32>
      %add3A_553 = arith.addf %sub3A_550, %add3A_552 : vector<1x256xf32>
      %max3A_554 = arith.constant 0.000000e+00 : f32
      %max3A_555 = vector.broadcast %max3A_554 : f32 to vector<1x256xf32>
      %max3A_556 = arith.maximumf %add3A_553, %max3A_555 : vector<1x256xf32>
      %mul3A_557 = arith.mulf %max3A_545, %max3A_556 : vector<1x256xf32>
      %sub3A_558 = arith.subf %slice3A_507, %slice3A_505 : vector<1x256xf32>
      %add3A_559 = arith.constant 1.000000e+00 : f32
      %add3A_560 = vector.broadcast %add3A_559 : f32 to vector<1x256xf32>
      %add3A_561 = arith.addf %sub3A_558, %add3A_560 : vector<1x256xf32>
      %sub3A_562 = arith.subf %slice3A_508, %slice3A_506 : vector<1x256xf32>
      %add3A_563 = arith.constant 1.000000e+00 : f32
      %add3A_564 = vector.broadcast %add3A_563 : f32 to vector<1x256xf32>
      %add3A_565 = arith.addf %sub3A_562, %add3A_564 : vector<1x256xf32>
      %mul3A_566 = arith.mulf %add3A_561, %add3A_565 : vector<1x256xf32>
      %sub3A_567 = arith.subf %broadcast_in_dim3A_528, %broadcast_in_dim3A_516 : vector<1x1xf32>
      %add3A_568 = arith.constant 1.000000e+00 : f32
      %add3A_569 = vector.broadcast %add3A_568 : f32 to vector<1x1xf32>
      %add3A_570 = arith.addf %sub3A_567, %add3A_569 : vector<1x1xf32>
      %sub3A_571 = arith.subf %broadcast_in_dim3A_534, %broadcast_in_dim3A_522 : vector<1x1xf32>
      %add3A_572 = arith.constant 1.000000e+00 : f32
      %add3A_573 = vector.broadcast %add3A_572 : f32 to vector<1x1xf32>
      %add3A_574 = arith.addf %sub3A_571, %add3A_573 : vector<1x1xf32>
      %mul3A_575 = arith.mulf %add3A_570, %add3A_574 : vector<1x1xf32>
      %add3A_576 = vector.broadcast %mul3A_575 : vector<1x1xf32> to vector<1x256xf32>
      %add3A_577 = arith.addf %add3A_576, %mul3A_566 : vector<1x256xf32>
      %sub3A_578 = arith.subf %add3A_577, %mul3A_557 : vector<1x256xf32>
      %div3A_579 = arith.divf %mul3A_557, %sub3A_578 : vector<1x256xf32>
      %ge3A_580 = arith.constant 5.000000e-01 : f32
      %ge3A_581 = vector.broadcast %ge3A_580 : f32 to vector<1x256xf32>
      %ge3A_582 = arith.cmpf oge, %div3A_579, %ge3A_581 : vector<1x256xf32>
      %eq3A_583 = vector.broadcast %sub3A_498 : i32 to vector<152x256xi32>
      %eq3A_584 = arith.cmpi eq, %iota3A, %eq3A_583 : vector<152x256xi32>
      %and3A_585 = vector.broadcast %ge3A_582 : vector<1x256xi1> to vector<152x256xi1>
      %and3A_586 = arith.andi %eq3A_584, %and3A_585 : vector<152x256xi1>
      %jit3A_587 = arith.constant 0.000000e+00 : f32
      %broadcast_in_dim3A_588 = vector.broadcast %jit3A_587 : f32 to vector<152x256xf32>
      %select_n3A_589 = arith.select %and3A_586, %broadcast_in_dim3A_588, %scan3A_233 : vector<152x256xi1>, vector<152x256xf32>
      %eq3A_590 = vector.broadcast %convert_element_type3A_495 : i32 to vector<152x256xi32>
      %eq3A_591 = arith.cmpi eq, %iota3A_0, %eq3A_590 : vector<152x256xi32>
      %jit3A_592 = arith.constant -1.000000e+00 : f32
      %broadcast_in_dim3A_593 = vector.broadcast %jit3A_592 : f32 to vector<152x256xf32>
      %select_n3A_594 = arith.select %eq3A_591, %broadcast_in_dim3A_593, %select_n3A_589 : vector<152x256xi1>, vector<152x256xf32>
      %broadcast_in_dim3A_595 = vector.broadcast %sub3A_498 : i32 to vector<1x256xi32>
      %select_n3A_596 = arith.select %eq3A_510, %broadcast_in_dim3A_595, %scan3A_234 : vector<1x256xi1>, vector<1x256xi32>
      %reduce_max3A_597 = arith.constant dense<0xFF800000> : vector<256xf32>
      %reduce_max3A_598 = vector.multi_reduction <maximumf>, %scan3A_235, %reduce_max3A_597 [0] : vector<152x256xf32> to vector<256xf32>
      %broadcast_in_dim3A_599 = vector.shape_cast %reduce_max3A_598 : vector<256xf32> to vector<1x256xf32>
      %reduce_max3A_600 = arith.constant dense<0xFF800000> : vector<1xf32>
      %reduce_max3A_601 = vector.multi_reduction <maximumf>, %broadcast_in_dim3A_599, %reduce_max3A_600 [1] : vector<1x256xf32> to vector<1xf32>
      %broadcast_in_dim3A_602 = vector.shape_cast %reduce_max3A_601 : vector<1xf32> to vector<1x1xf32>
      %eq3A_603 = vector.broadcast %broadcast_in_dim3A_602 : vector<1x1xf32> to vector<152x256xf32>
      %eq3A_604 = arith.cmpf oeq, %scan3A_235, %eq3A_603 : vector<152x256xf32>
      %broadcast_in_dim3A_605 = vector.broadcast %scan3A : i32 to vector<152x256xi32>
      %select_n3A_606 = arith.select %eq3A_604, %add3A, %broadcast_in_dim3A_605 : vector<152x256xi1>, vector<152x256xi32>
      %reduce_min3A_607 = vector.shape_cast %select_n3A_606 : vector<152x256xi32> to vector<1x152x256xi32>
      %reduce_min3A_608 = arith.constant dense<2147483647> : vector<1xi32>
      %reduce_min3A_609 = vector.multi_reduction <minsi>, %reduce_min3A_607, %reduce_min3A_608 [1, 2] : vector<1x152x256xi32> to vector<1xi32>
      %reduce_min3A_610 = vector.shape_cast %reduce_min3A_609 : vector<1xi32> to vector<1x1x1xi32>
      %reduce_min3A_611 = vector.extract %reduce_min3A_610[0, 0, 0] : i32 from vector<1x1x1xi32>
      %convert_element_type3A_612 = arith.sitofp %reduce_min3A_611 : i32 to f32
      %add3A_613 = arith.constant 5.000000e-01 : f32
      %add3A_614 = arith.addf %convert_element_type3A_612, %add3A_613 : f32
      %mul3A_615 = arith.constant 0.00657894742 : f32
      %mul3A_616 = arith.mulf %add3A_614, %mul3A_615 : f32
      %convert_element_type3A_617 = arith.fptosi %mul3A_616 : f32 to i32
      %mul3A_618 = arith.constant 152 : i32
      %mul3A_619 = arith.muli %convert_element_type3A_617, %mul3A_618 : i32
      %sub3A_620 = arith.subi %reduce_min3A_611, %mul3A_619 : i32
      %get3A_621 = arith.constant 3 : index
      %get3A_622 = arith.index_cast %sub3A_620 : i32 to index
      %get3A_623 = arith.constant 0 : index
      %get3A_624 = arith.constant 0 : index
      %get3A_625 = vector.load %arg3[%get3A_621, %get3A_622, %get3A_623, %get3A_624] : memref<4x152x4x256xf32, #tpu.memory_space<vmem>>, vector<1x1x4x256xf32>
      %get3A_626 = vector.shape_cast %get3A_625 : vector<1x1x4x256xf32> to vector<4x256xf32>
      %slice3A_627 = vector.extract_strided_slice %get3A_626 {offsets = [0, 0], sizes = [1, 256], strides = [1, 1]} : vector<4x256xf32> to vector<1x256xf32>
      %slice3A_628 = vector.extract_strided_slice %get3A_626 {offsets = [1, 0], sizes = [1, 256], strides = [1, 1]} : vector<4x256xf32> to vector<1x256xf32>
      %slice3A_629 = vector.extract_strided_slice %get3A_626 {offsets = [2, 0], sizes = [1, 256], strides = [1, 1]} : vector<4x256xf32> to vector<1x256xf32>
      %slice3A_630 = vector.extract_strided_slice %get3A_626 {offsets = [3, 0], sizes = [1, 256], strides = [1, 1]} : vector<4x256xf32> to vector<1x256xf32>
      %eq3A_631 = vector.broadcast %convert_element_type3A_617 : i32 to vector<1x256xi32>
      %eq3A_632 = arith.cmpi eq, %iota3A_1, %eq3A_631 : vector<1x256xi32>
      %jit3A_633 = arith.constant 0.000000e+00 : f32
      %broadcast_in_dim3A_634 = vector.broadcast %jit3A_633 : f32 to vector<1x256xf32>
      %select_n3A_635 = arith.select %eq3A_632, %slice3A_627, %broadcast_in_dim3A_634 : vector<1x256xi1>, vector<1x256xf32>
      %reduce_sum3A_636 = arith.constant dense<0.000000e+00> : vector<1xf32>
      %reduce_sum3A_637 = vector.multi_reduction <add>, %select_n3A_635, %reduce_sum3A_636 [1] : vector<1x256xf32> to vector<1xf32>
      %broadcast_in_dim3A_638 = vector.shape_cast %reduce_sum3A_637 : vector<1xf32> to vector<1x1xf32>
      %jit3A_639 = arith.constant 0.000000e+00 : f32
      %broadcast_in_dim3A_640 = vector.broadcast %jit3A_639 : f32 to vector<1x256xf32>
      %select_n3A_641 = arith.select %eq3A_632, %slice3A_628, %broadcast_in_dim3A_640 : vector<1x256xi1>, vector<1x256xf32>
      %reduce_sum3A_642 = arith.constant dense<0.000000e+00> : vector<1xf32>
      %reduce_sum3A_643 = vector.multi_reduction <add>, %select_n3A_641, %reduce_sum3A_642 [1] : vector<1x256xf32> to vector<1xf32>
      %broadcast_in_dim3A_644 = vector.shape_cast %reduce_sum3A_643 : vector<1xf32> to vector<1x1xf32>
      %jit3A_645 = arith.constant 0.000000e+00 : f32
      %broadcast_in_dim3A_646 = vector.broadcast %jit3A_645 : f32 to vector<1x256xf32>
      %select_n3A_647 = arith.select %eq3A_632, %slice3A_629, %broadcast_in_dim3A_646 : vector<1x256xi1>, vector<1x256xf32>
      %reduce_sum3A_648 = arith.constant dense<0.000000e+00> : vector<1xf32>
      %reduce_sum3A_649 = vector.multi_reduction <add>, %select_n3A_647, %reduce_sum3A_648 [1] : vector<1x256xf32> to vector<1xf32>
      %broadcast_in_dim3A_650 = vector.shape_cast %reduce_sum3A_649 : vector<1xf32> to vector<1x1xf32>
      %jit3A_651 = arith.constant 0.000000e+00 : f32
      %broadcast_in_dim3A_652 = vector.broadcast %jit3A_651 : f32 to vector<1x256xf32>
      %select_n3A_653 = arith.select %eq3A_632, %slice3A_630, %broadcast_in_dim3A_652 : vector<1x256xi1>, vector<1x256xf32>
      %reduce_sum3A_654 = arith.constant dense<0.000000e+00> : vector<1xf32>
      %reduce_sum3A_655 = vector.multi_reduction <add>, %select_n3A_653, %reduce_sum3A_654 [1] : vector<1x256xf32> to vector<1xf32>
      %broadcast_in_dim3A_656 = vector.shape_cast %reduce_sum3A_655 : vector<1xf32> to vector<1x1xf32>
      %min3A_657 = vector.broadcast %broadcast_in_dim3A_650 : vector<1x1xf32> to vector<1x256xf32>
      %min3A_658 = arith.minimumf %min3A_657, %slice3A_629 : vector<1x256xf32>
      %max3A_659 = vector.broadcast %broadcast_in_dim3A_638 : vector<1x1xf32> to vector<1x256xf32>
      %max3A_660 = arith.maximumf %max3A_659, %slice3A_627 : vector<1x256xf32>
      %sub3A_661 = arith.subf %min3A_658, %max3A_660 : vector<1x256xf32>
      %add3A_662 = arith.constant 1.000000e+00 : f32
      %add3A_663 = vector.broadcast %add3A_662 : f32 to vector<1x256xf32>
      %add3A_664 = arith.addf %sub3A_661, %add3A_663 : vector<1x256xf32>
      %max3A_665 = arith.constant 0.000000e+00 : f32
      %max3A_666 = vector.broadcast %max3A_665 : f32 to vector<1x256xf32>
      %max3A_667 = arith.maximumf %add3A_664, %max3A_666 : vector<1x256xf32>
      %min3A_668 = vector.broadcast %broadcast_in_dim3A_656 : vector<1x1xf32> to vector<1x256xf32>
      %min3A_669 = arith.minimumf %min3A_668, %slice3A_630 : vector<1x256xf32>
      %max3A_670 = vector.broadcast %broadcast_in_dim3A_644 : vector<1x1xf32> to vector<1x256xf32>
      %max3A_671 = arith.maximumf %max3A_670, %slice3A_628 : vector<1x256xf32>
      %sub3A_672 = arith.subf %min3A_669, %max3A_671 : vector<1x256xf32>
      %add3A_673 = arith.constant 1.000000e+00 : f32
      %add3A_674 = vector.broadcast %add3A_673 : f32 to vector<1x256xf32>
      %add3A_675 = arith.addf %sub3A_672, %add3A_674 : vector<1x256xf32>
      %max3A_676 = arith.constant 0.000000e+00 : f32
      %max3A_677 = vector.broadcast %max3A_676 : f32 to vector<1x256xf32>
      %max3A_678 = arith.maximumf %add3A_675, %max3A_677 : vector<1x256xf32>
      %mul3A_679 = arith.mulf %max3A_667, %max3A_678 : vector<1x256xf32>
      %sub3A_680 = arith.subf %slice3A_629, %slice3A_627 : vector<1x256xf32>
      %add3A_681 = arith.constant 1.000000e+00 : f32
      %add3A_682 = vector.broadcast %add3A_681 : f32 to vector<1x256xf32>
      %add3A_683 = arith.addf %sub3A_680, %add3A_682 : vector<1x256xf32>
      %sub3A_684 = arith.subf %slice3A_630, %slice3A_628 : vector<1x256xf32>
      %add3A_685 = arith.constant 1.000000e+00 : f32
      %add3A_686 = vector.broadcast %add3A_685 : f32 to vector<1x256xf32>
      %add3A_687 = arith.addf %sub3A_684, %add3A_686 : vector<1x256xf32>
      %mul3A_688 = arith.mulf %add3A_683, %add3A_687 : vector<1x256xf32>
      %sub3A_689 = arith.subf %broadcast_in_dim3A_650, %broadcast_in_dim3A_638 : vector<1x1xf32>
      %add3A_690 = arith.constant 1.000000e+00 : f32
      %add3A_691 = vector.broadcast %add3A_690 : f32 to vector<1x1xf32>
      %add3A_692 = arith.addf %sub3A_689, %add3A_691 : vector<1x1xf32>
      %sub3A_693 = arith.subf %broadcast_in_dim3A_656, %broadcast_in_dim3A_644 : vector<1x1xf32>
      %add3A_694 = arith.constant 1.000000e+00 : f32
      %add3A_695 = vector.broadcast %add3A_694 : f32 to vector<1x1xf32>
      %add3A_696 = arith.addf %sub3A_693, %add3A_695 : vector<1x1xf32>
      %mul3A_697 = arith.mulf %add3A_692, %add3A_696 : vector<1x1xf32>
      %add3A_698 = vector.broadcast %mul3A_697 : vector<1x1xf32> to vector<1x256xf32>
      %add3A_699 = arith.addf %add3A_698, %mul3A_688 : vector<1x256xf32>
      %sub3A_700 = arith.subf %add3A_699, %mul3A_679 : vector<1x256xf32>
      %div3A_701 = arith.divf %mul3A_679, %sub3A_700 : vector<1x256xf32>
      %ge3A_702 = arith.constant 5.000000e-01 : f32
      %ge3A_703 = vector.broadcast %ge3A_702 : f32 to vector<1x256xf32>
      %ge3A_704 = arith.cmpf oge, %div3A_701, %ge3A_703 : vector<1x256xf32>
      %eq3A_705 = vector.broadcast %sub3A_620 : i32 to vector<152x256xi32>
      %eq3A_706 = arith.cmpi eq, %iota3A, %eq3A_705 : vector<152x256xi32>
      %and3A_707 = vector.broadcast %ge3A_704 : vector<1x256xi1> to vector<152x256xi1>
      %and3A_708 = arith.andi %eq3A_706, %and3A_707 : vector<152x256xi1>
      %jit3A_709 = arith.constant 0.000000e+00 : f32
      %broadcast_in_dim3A_710 = vector.broadcast %jit3A_709 : f32 to vector<152x256xf32>
      %select_n3A_711 = arith.select %and3A_708, %broadcast_in_dim3A_710, %scan3A_235 : vector<152x256xi1>, vector<152x256xf32>
      %eq3A_712 = vector.broadcast %convert_element_type3A_617 : i32 to vector<152x256xi32>
      %eq3A_713 = arith.cmpi eq, %iota3A_0, %eq3A_712 : vector<152x256xi32>
      %jit3A_714 = arith.constant -1.000000e+00 : f32
      %broadcast_in_dim3A_715 = vector.broadcast %jit3A_714 : f32 to vector<152x256xf32>
      %select_n3A_716 = arith.select %eq3A_713, %broadcast_in_dim3A_715, %select_n3A_711 : vector<152x256xi1>, vector<152x256xf32>
      %broadcast_in_dim3A_717 = vector.broadcast %sub3A_620 : i32 to vector<1x256xi32>
      %select_n3A_718 = arith.select %eq3A_632, %broadcast_in_dim3A_717, %scan3A_236 : vector<1x256xi1>, vector<1x256xi32>
      scf.yield %select_n3A_350, %select_n3A_352, %select_n3A_472, %select_n3A_474, %select_n3A_594, %select_n3A_596, %select_n3A_716, %select_n3A_718 : vector<152x256xf32>, vector<1x256xi32>, vector<152x256xf32>, vector<1x256xi32>, vector<152x256xf32>, vector<1x256xi32>, vector<152x256xf32>, vector<1x256xi32>
    }
    %swap3A_204 = arith.constant 0 : index
    %swap3A_205 = arith.constant 0 : index
    %swap3A_206 = arith.constant 0 : index
    %swap3A_207 = vector.load %arg5[%swap3A_204, %swap3A_205, %swap3A_206] : memref<4x1x256xi32, #tpu.memory_space<vmem>>, vector<1x1x256xi32>
    %swap3A_208 = vector.shape_cast %swap3A_207 : vector<1x1x256xi32> to vector<1x256xi32>
    %swap3A_209 = vector.shape_cast %scan3A_203#1 : vector<1x256xi32> to vector<1x1x256xi32>
    tpu.vector_store %arg5[%swap3A_204, %swap3A_205, %swap3A_206], %swap3A_209 {strides = array<i32>} : memref<4x1x256xi32, #tpu.memory_space<vmem>>, vector<1x1x256xi32>,
    %swap3A_210 = arith.constant 1 : index
    %swap3A_211 = arith.constant 0 : index
    %swap3A_212 = arith.constant 0 : index
    %swap3A_213 = vector.load %arg5[%swap3A_210, %swap3A_211, %swap3A_212] : memref<4x1x256xi32, #tpu.memory_space<vmem>>, vector<1x1x256xi32>
    %swap3A_214 = vector.shape_cast %swap3A_213 : vector<1x1x256xi32> to vector<1x256xi32>
    %swap3A_215 = vector.shape_cast %scan3A_203#3 : vector<1x256xi32> to vector<1x1x256xi32>
    tpu.vector_store %arg5[%swap3A_210, %swap3A_211, %swap3A_212], %swap3A_215 {strides = array<i32>} : memref<4x1x256xi32, #tpu.memory_space<vmem>>, vector<1x1x256xi32>,
    %swap3A_216 = arith.constant 2 : index
    %swap3A_217 = arith.constant 0 : index
    %swap3A_218 = arith.constant 0 : index
    %swap3A_219 = vector.load %arg5[%swap3A_216, %swap3A_217, %swap3A_218] : memref<4x1x256xi32, #tpu.memory_space<vmem>>, vector<1x1x256xi32>
    %swap3A_220 = vector.shape_cast %swap3A_219 : vector<1x1x256xi32> to vector<1x256xi32>
    %swap3A_221 = vector.shape_cast %scan3A_203#5 : vector<1x256xi32> to vector<1x1x256xi32>
    tpu.vector_store %arg5[%swap3A_216, %swap3A_217, %swap3A_218], %swap3A_221 {strides = array<i32>} : memref<4x1x256xi32, #tpu.memory_space<vmem>>, vector<1x1x256xi32>,
    %swap3A_222 = arith.constant 3 : index
    %swap3A_223 = arith.constant 0 : index
    %swap3A_224 = arith.constant 0 : index
    %swap3A_225 = vector.load %arg5[%swap3A_222, %swap3A_223, %swap3A_224] : memref<4x1x256xi32, #tpu.memory_space<vmem>>, vector<1x1x256xi32>
    %swap3A_226 = vector.shape_cast %swap3A_225 : vector<1x1x256xi32> to vector<1x256xi32>
    %swap3A_227 = vector.shape_cast %scan3A_203#7 : vector<1x256xi32> to vector<1x1x256xi32>
    tpu.vector_store %arg5[%swap3A_222, %swap3A_223, %swap3A_224], %swap3A_227 {strides = array<i32>} : memref<4x1x256xi32, #tpu.memory_space<vmem>>, vector<1x1x256xi32>,
    return
  }
}

</mosaic_0001>

<sc_bundles>
// kernel: kernel.4.cloned.1.call-start
scs
__scs_entry_jumppad:
0x0: {  	(pc) =	sbr.rel $0x88, $3  }
0x1: {  	(tag) =	ssettag $0x0;
	lr =	simm.s32 $0x1  }
0x2: {  	[smem:$0x3F9C] =	sst lr;
	_ =	strace $0xD0000000  }
0x3: {  	_ = 	snop  }
0x4: {  	_ = 	snop  }
0x5: {  	_ = 	snop  }
0x6: {  	_ = 	snop  }
0x7: {  	_ = 	snop  }
__scs_overlays_trampoline_lowered:
0x8: {  	[smem:$0x3FAB] =	sst s0  }
0x9: {  	[smem:$0x3FAC] =	sst s1  }
0xa: {  	[smem:$0x3FAD] =	sst s2  }
0xb: {  	[smem:$0x3FAE] =	sst s3  }
0xc: {  	[smem:$0x3FAF] =	sst s4  }
0xd: {  	[smem:$0x3FB0] =	sst s5  }
0xe: {  	[smem:$0x3FB1] =	sst s6  }
0xf: {  	[smem:$0x3FB2] =	sst s7  }
0x10: {  	[smem:$0x3FB3] =	sst s8  }
0x11: {  	[smem:$0x3FB4] =	sst s9;
	s0 =	simm.s32 @!p0 $0x0  }
0x12: {  	s1 =	sld [smem:$0x3F9A];
	s0 =	simm.s32 @p0 $0x1  }
0x13: {  	[smem:$0x3FB5] =	sst s0;
	s0 =	simm.s32 @!p1 $0x0  }
0x14: {  	s2 =	sld [smem:$0x3F99];
	s0 =	simm.s32 @p1 $0x1  }
0x15: {  	[smem:$0x3FB6] =	sst s0;
	s0 =	simm.s32 @!p2 $0x0  }
0x16: {  	s3 =	sld [smem:$0x3FDB];
	s0 =	simm.s32 @p2 $0x1  }
0x17: {  	s4 =	simm.s32 $0x1BF5;
	[smem:$0x3FB8] =	sst s0  }
0x18: {  	s0 =	sld [smem:$0x3F9B];
	_ =	swait.ge [sflag:s4], $0x0  }
0x19: {  	s7 =	sld [smem:$0x3F9C]  }
0x1a: {  	s8 =	sadd.s32 $0xFFFFE003, lr  }
0x1b: {  	s9 =	sadd.s32 $0xFFFFFEF7, lr;
	s5 =	simm.s32 $0xFFFFFFFF;
	p2 =	slt.u32 s8, $0xFFFFF086  }
0x1c: {  	p1 =	slt.u32 s9, $0xF7A;
	s5 =	simm.s32 @!p2 $0x0  }
0x1d: {  	s5 =	simm.s32 @p1 $0x1;
	p0 =	seq.s32 s7, s2  }
0x1e: {  	s7 =	smul.u32 @!p0 $0xF7A, s2;
	p2 =	seq.s32 @!p0 s5, $0x0  }
0x1f: {  	s9 =	smul.u32 $0xF7A, s1;
	s8 =	simm.s32 @!p0 $0x1BF5;
	p2 =	por !p2, p0  }
0x20: {  	[sflag:s8] =	ssyncset.s32 @!p0 $0xFFFFF086;
	s6 =	sadd.s32 @!p0 s3, s7;
	s7 =	simm.s32 @!p0 $0x108  }
0x21: {  	s3 =	sadd.s32 s3, s9;
	s6 =	sadd.s32 @!p0 $0x88, s6;
	s7 =	simm.s32 @p2 $0x1082  }
0x22: {  	[simem:s7], [sflag:s8] =	dma.local @!p0 [hbm:s6], $0xF7A  }
0x23: {  	s9 =	sor.u32 $0xD0000000, s2;
	s6 =	simm.s32 $0x108;
	_ =	swait.ge @!p0 [sflag:s8], $0x0  }
0x24: {  	s3 =	sadd.s32 $0x88, s3;
	s6 =	simm.s32 @!p1 $0x1082;
	[sflag:s4] =	ssyncset.s32 $0xFFFFF086  }
0x25: {  	[simem:s6], [sflag:s4] =	dma.local [hbm:s3], $0xF7A  }
0x26: {  	[smem:$0x3F9C] =	sst s1;
	(tag) =	ssettag s2;
	_ =	strace s9  }
0x27: {  	s1 =	sld [smem:$0x3FAC]  }
0x28: {  	s2 =	sld [smem:$0x3FAD]  }
0x29: {  	s4 =	sld [smem:$0x3FAF]  }
0x2a: {  	p0 =	seq.s32 s5, $0x0;
	s5 =	sld [smem:$0x3FB0]  }
0x2b: {  	s6 =	sld [smem:$0x3FB1]  }
0x2c: {  	s7 =	sld [smem:$0x3FB2]  }
0x2d: {  	s3 =	simm.s32 $0x108;
	s8 =	sld [smem:$0x3FB3]  }
0x2e: {  	s3 =	simm.s32 @!p0 $0x1082;
	s9 =	sld [smem:$0x3FB4]  }
0x2f: {  	lr =	sadd.s32 s0, s3;
	s0 =	sld [smem:$0x3FAB]  }
0x30: {  	s3 =	sld [smem:$0x3FAE]  }
0x31: {  	[smem:$0x3FB7] =	sst s10  }
0x32: {  	s10 =	sld [smem:$0x3FB5];
	_ =	sdelay $0x3  }
0x33: {  	p0 =	seq.s32 s10, $0x1;
	s10 =	sld [smem:$0x3FB7];
	_ =	sdelay $0x3  }
0x34: {  	[smem:$0x3FB7] =	sst s10  }
0x35: {  	s10 =	sld [smem:$0x3FB6];
	_ =	sdelay $0x3  }
0x36: {  	p1 =	seq.s32 s10, $0x1;
	s10 =	sld [smem:$0x3FB7];
	_ =	sdelay $0x3  }
0x37: {  	[smem:$0x3FB7] =	sst s10  }
0x38: {  	s10 =	sld [smem:$0x3FB8]  }
0x39: {  	_ = 	snop;
	(pc) =	sbr.ind lr, $3  }
0x3a: {  	_ = 	snop  }
0x3b: {  	_ = 	snop  }
0x3c: {  	p2 =	seq.s32 s10, $0x1;
	s10 =	sld [smem:$0x3FB7]  }
0x3d: {  	_ =	shalt  }
0x3e: {  	_ =	shalt  }
0x3f: {  	_ =	shalt  }
0x40: {  	_ =	shalt  }
0x41: {  	_ =	shalt  }
0x42: {  	_ =	shalt  }
0x43: {  	_ =	shalt  }
0x44: {  	_ =	shalt  }
0x45: {  	_ =	shalt  }
0x46: {  	_ =	shalt  }
0x47: {  	_ =	shalt  }
0x48: {  	_ =	shalt  }
0x49: {  	_ =	shalt  }
0x4a: {  	_ =	shalt  }
0x4b: {  	_ =	shalt  }
0x4c: {  	_ =	shalt  }
0x4d: {  	_ =	shalt  }
0x4e: {  	_ =	shalt  }
0x4f: {  	_ =	shalt  }
0x50: {  	_ =	shalt  }
0x51: {  	_ =	shalt  }
0x52: {  	_ =	shalt  }
0x53: {  	_ =	shalt  }
0x54: {  	_ =	shalt  }
0x55: {  	_ =	shalt  }
0x56: {  	_ =	shalt  }
0x57: {  	_ =	shalt  }
0x58: {  	_ =	shalt  }
0x59: {  	_ =	shalt  }
0x5a: {  	_ =	shalt  }
0x5b: {  	_ =	shalt  }
0x5c: {  	_ =	shalt  }
0x5d: {  	_ =	shalt  }
0x5e: {  	_ =	shalt  }
0x5f: {  	_ =	shalt  }
0x60: {  	_ =	shalt  }
0x61: {  	_ =	shalt  }
0x62: {  	_ =	shalt  }
0x63: {  	_ =	shalt  }
0x64: {  	_ =	shalt  }
0x65: {  	_ =	shalt  }
0x66: {  	_ =	shalt  }
0x67: {  	_ =	shalt  }
0x68: {  	_ =	shalt  }
0x69: {  	_ =	shalt  }
0x6a: {  	_ =	shalt  }
0x6b: {  	_ =	shalt  }
0x6c: {  	_ =	shalt  }
0x6d: {  	_ =	shalt  }
0x6e: {  	_ =	shalt  }
0x6f: {  	_ =	shalt  }
0x70: {  	_ =	shalt  }
0x71: {  	_ =	shalt  }
0x72: {  	_ =	shalt  }
0x73: {  	_ =	shalt  }
0x74: {  	_ =	shalt  }
0x75: {  	_ =	shalt  }
0x76: {  	_ =	shalt  }
0x77: {  	_ =	shalt  }
0x78: {  	_ =	shalt  }
0x79: {  	_ =	shalt  }
0x7a: {  	_ =	shalt  }
0x7b: {  	_ =	shalt  }
0x7c: {  	_ =	shalt  }
0x7d: {  	_ =	shalt  }
0x7e: {  	_ =	shalt  }
0x7f: {  	_ =	shalt  }
0x80: {  	_ =	shalt  }
0x81: {  	_ =	shalt  }
0x82: {  	_ =	shalt  }
0x83: {  	_ =	shalt  }
0x84: {  	_ =	shalt  }
0x85: {  	_ =	shalt  }
0x86: {  	_ =	shalt  }
0x87: {  	_ =	shalt  }
.Lfunc_end0:
.L_simem_size_0:
called_computation_lowered:
.L_overlay_start_0:
0x88: {  	s2 =	sld [smem:$0x3FD9]  }
0x89: {  	s3 =	sld [smem:$0x3FFE];
	_ =	sdelay $0x1  }
0x8a: {  	s1 =	srdreg.scid  }
0x8b: {  	s0 =	sand.u32 $0x1, s1  }
0x8c: {  	s14 =	sshll.u32 s0, $0xA;
	s2 =	sadd.s32 s3, s2  }
0x8d: {  	s2 =	sadd.s32 s2, s14  }
0x8e: {  	[smem:$0x3FC3] =	sst s2  }
0x8f: {  	_ = 	snop  }
0x90: {  	s2 =	sld [smem:$0x3FD0];
	_ =	sdelay $0x2  }
0x91: {  	s15 =	simm.s32 $0xA;
	s4 =	simm.s32 $0x10  }
0x92: {  	[smem:s4], [sflag:s15] =	dma.local [hbm:s2], $0x1  }
0x93: {  	_ =	swait.eq [sflag:s15], $0x1  }
0x94: {  	[sflag:s15] =	ssyncset.done $0x0  }
0x95: {  	s16 =	sld [smem:$0x11];
	[sflag:s15] =	ssyncadd.s32 $0xFFFFFFFF  }
0x96: {  	s17 =	sld [smem:$0x12];
	(tm) =	ssettm $0x1  }
0x97: {  	s18 =	sld [smem:$0x3FFB];
	_ =	sdelay $0x3  }
0x98: {  	_ =	strace s18  }
0x99: {  	s4 =	sld [smem:$0x3FFC];
	_ =	sdelay $0x3  }
0x9a: {  	_ =	strace s4  }
0x9b: {  	s4 =	sld [smem:$0x3FFD];
	_ =	sdelay $0x3  }
0x9c: {  	_ =	strace s4  }
0x9d: {  	_ =	strace $0x8FFFFFFF  }
0x9e: {  	s19 =	sld [smem:$0x3FDB];
	_ =	sdelay $0x1  }
0x9f: {  	s5 =	simm.s32 $_scs_section_size  }
0xa0: {  	s6 =	simm.s32 $_size__tile_overlayer_lowered;
	s7 =	simm.s32 $_tile_overlayer_lowered  }
0xa1: {  	s22 =	simm.s32 $0x1BFF;
	s21 =	sshll.u32 s7, $0x1;
	s4 =	sadd.s32 s5, s19  }
0xa2: {  	s8 =	simm.s32 $0x0;
	s20 =	sshll.u32 s6, $0x1;
	s6 =	sadd.s32 s21, s4  }
0xa3: {  	[timem:s8], [sflag:s22] =	dma.local [hbm:s6], s20  }
0xa4: {  	_ =	swait.ge [sflag:s22], s20  }
0xa5: {  	s5 =	ssub.s32 $0x0, s20;
	[sflag:s22] =	ssyncset.done $0x0  }
0xa6: {  	[sflag:s22] =	ssyncadd.s32 s5;
	_ =	sdelay $0x1  }
0xa7: {  	s23 =	simm.s32 $0x1B8B  }
0xa8: {  	_ =	swait.ge [sflag:s23], $0x1  }
0xa9: {  	[sflag:s23] =	ssyncset.done $0x0  }
0xaa: {  	s25 =	simm.s32 $0x1B8E;
	s24 =	sld [smem:$0x3FFE];
	[sflag:s23] =	ssyncadd.s32 $0xFFFFFFFF  }
0xab: {  	s26 =	simm.s32 $execute0_lowered;
	[smem:$0x3FD2] =	sst s25  }
0xac: {  	s6 =	sshll.u32 s26, $0x1;
	_ =	strace $0x80000046;
	[dreg:$0x1] =	wrdreg $0xFFFFFFFF  }
0xad: {  	s28 =	simm.s32 $_size_execute0_lowered;
	s4 =	sadd.s32 s4, s6;
	[dreg:$0x0] =	wrdreg $0x0  }
0xae: {  	s6 =	sshll.u32 s28, $0x1;
	[dreg:$0x2] =	wrdreg s4  }
0xaf: {  	[dreg:$0x3] =	wrdreg s6  }
0xb0: {  	[dreg:$0x4] =	wrdreg $0xC0  }
0xb1: {  	_ =	task [dreg:s8], $0x5FFFF  }
0xb2: {  	[dreg:$0x1] =	wrdreg $0xFFFFFFFF  }
0xb3: {  	[dreg:$0x0] =	wrdreg $0x60  }
0xb4: {  	[dreg:$0x2] =	wrdreg s17  }
0xb5: {  	[dreg:$0x3] =	wrdreg s16  }
0xb6: {  	[dreg:$0x4] =	wrdreg s24  }
0xb7: {  	[dreg:$0x5] =	wrdreg $0x9  }
0xb8: {  	_ =	task.clear_ibuf [dreg:s8], $0x6FFFF;
	_ =	strace $0x90000046  }
0xb9: {  	s29 =	simm.s32 $0x9;
	_ =	strace $0x80000048  }
0xba: {  	_ =	swait.ge [sflag:s29], $0x1  }
0xbb: {  	[sflag:s29] =	ssyncadd.s32 $0xFFFFFFFF  }
0xbc: {  	_ =	strace $0x90000048  }
0xbd: {  	_ =	sfence  }
0xbe: {  	s30 =	sld [smem:$0x0];
	_ =	sdelay $0x2  }
0xbf: {  	s31 =	sshll.u32 s1, $0xD;
	s1 =	sshrl.u32 s1, $0x2  }
0xc0: {  	s3 =	sand.u32 $0x4000, s31;
	s1 =	sadd.s32 s1, s30  }
0xc1: {  	s0 =	sor.u32 s3, s0;
	s1 =	sshll.u32 s1, $0x11  }
0xc2: {  	s0 =	sor.u32 s1, s0  }
0xc3: {  	s0 =	sadd.s32 $0x8F2B, s0  }
0xc4: {  	[sflag:s0] =	ssyncadd.remote.s32 $0x1  }
0xc5: {  	_ =	sfence.sel $0xFFFF  }
0xc6: {  	[dreg:$0x0] =	wrdreg $0xFFFFFFFF;
	(pc) =	sbr.abs _section_cstart, $3  }
0xc7: {  	[dreg:$0x1] =	wrdreg $0xFFFFFFFF  }
0xc8: {  	_ =	task.clear_ibuf [dreg:s8], $0x2FFFF;
	_ =	strace $0x9FFFFFFF  }
0xc9: {  	(tm) =	ssettm $0x7FFFFFFF  }
tec
execute0_lowered:
.L_overlay_start_1:
0x0: {  	(tag) =	ssettag $0x1  }
0x1: {  	s1 =	rddreg [dreg:$0x0]  }
0x2: {  	s4 =	rddreg [dreg:$0x1]  }
0x3: {  	s5 =	rddreg [dreg:$0x2];
	s3 =	srdreg.scid  }
0x4: {  	s0 =	rddreg [dreg:$0x3];
	s2 =	stileid.u32;
	s10 =	simm.s32 $0x1080  }
0x5: {  	s11 =	simm.s32 $0x1880;
	s12 =	simm.s32 $0x1;
	s6 =	sand.u32 $0x1, s3  }
0x6: {  	s3 =	simm.s32 $0x0;
	s7 =	sshll.u32 s2, $0x6;
	s8 =	sshll.u32 s6, $0x5  }
0x7: {  	[smem:$0x7FF] =	sst s3;
	s6 =	ssub.s32 $0x2, s6;
	s7 =	sor.u32 s8, s7  }
0x8: {  	_ =	strace $0x80000047;
	s9 =	sshrl.u32 s6, $0x1;
	s8 =	sshll.u32 s7, $0x5  }
0x9: {  	v2 =	vlaneseq.u32;
	s6 =	ssub.s32 s6, s9;
	s7 =	sshrl.u32 s7, $0x3;
	s9 =	simm.s32 $0x880  }
0xa: {  	vm0 =	vmmov $0xffff;
	v1 =	vshrl.u32 v2, $0x3;
	s5 =	sadd.s32 s8, s5;
	s4 =	sadd.s32 s4, s7;
	s6 =	smax.u32 s6, $0x1  }
0xb: {  	v0 =	vand.u32 $0x7, v2;
	v2 =	vor.u32 $0x8, v2;
	v1 =	vmul.u32 $0x8, v1;
	s7 =	simm.s32 $0x2;
	s8 =	simm.s32 $0x80;
	s5 =	sadd.s32 $0xE00, s5  }
.LBB2_1:
0xc: {  	[tilespmem:s3], [sflag:$0x2] =	stream.linear.gather [hbm4b:s4+s3], $0x20, $0x38;
	[tilespmem:$0x2080] =	vst v63  }
0xd: {  	_ =	swait.ge [sflag:s7], $0x20  }
0xe: {  	[sflag:s7] =	ssyncset.done $0x0  }
0xf: {  	[sflag:s7] =	ssyncadd.s32 $0xFFFFFFE0  }
0x10: {  	v3 =	vld [tilespmem:$0x0];
	_ =	sdelay $0x4  }
0x11: {  	v4 =	vshll.u32 v3, $0x1  }
0x12: {  	v3 =	vand.u32 $0x7, v3;
	v4 =	vand.u32 $0xFFFFFFF0, v4  }
0x13: {  	v3 =	vor.u32 v3, v4  }
0x14: {  	v4 =	vperm.xlane v3, v0;
	_ =	sdelay $0x1  }
0x15: {  	v3 =	vperm.xlane v3, v2;
	v4 =	vadd.s32 v1, v4;
	_ =	sdelay $0x1  }
0x16: {  	v3 =	vadd.s32 v1, v3;
	_ =	sdelay $0x2  }
0x17: {  	[tilespmem:s8], [sflag:$0x1] =	stream.indirect_vreg.gather [hbm4b:s1+s3], $0x80, v4, vm0, $0xb8;
	[tilespmem:$0x2080] =	vst v63  }
0x18: {  	_ = 	snop  }
0x19: {  	[tilespmem:s9], [sflag:$0x1] =	stream.indirect_vreg.gather [hbm4b:s1+s3], $0x80, v3, vm0, $0xb8;
	[tilespmem:$0x2080] =	vst v63  }
0x1a: {  	v3 =	vld [tilespmem:$0x10];
	_ =	sdelay $0x4  }
0x1b: {  	v63 =	vshll.u32 v3, $0x1  }
0x1c: {  	v3 =	vand.u32 $0x7, v3;
	v4 =	vand.u32 $0xFFFFFFF0, v63  }
0x1d: {  	v3 =	vor.u32 v3, v4  }
0x1e: {  	v4 =	vperm.xlane v3, v0;
	_ =	sdelay $0x1  }
0x1f: {  	v3 =	vperm.xlane v3, v2;
	v4 =	vadd.s32 v1, v4;
	_ =	sdelay $0x1  }
0x20: {  	v3 =	vadd.s32 v1, v3;
	_ =	sdelay $0x2  }
0x21: {  	[tilespmem:s10], [sflag:$0x1] =	stream.indirect_vreg.gather [hbm4b:s1+s3], $0x80, v4, vm0, $0xb8;
	[tilespmem:$0x2080] =	vst v63  }
0x22: {  	_ = 	snop  }
0x23: {  	[tilespmem:s11], [sflag:$0x1] =	stream.indirect_vreg.gather [hbm4b:s1+s3], $0x80, v3, vm0, $0xb8;
	[tilespmem:$0x2080] =	vst v63  }
0x24: {  	_ =	swait.ge [sflag:s12], $0x2000  }
0x25: {  	p0 =	sne.s32 s6, $0x1;
	[sflag:s12] =	ssyncset.done $0x0  }
.Ltmp0:
0x26: {  	[sflag:s12] =	ssyncadd.s32 $0xFFFFE000;
	(pc) =	sbr.rel @p0 .LBB2_1-.Ltmp0, $4  }
0x27: {  	[hbm4b:s5+s3] =	stream.linear.scatter [tilespmem:s8], [sflag:$0x2], $0x2000, $0x38;
	[tilespmem:$0x2080] =	vst v63  }
0x28: {  	_ =	swait.ge [sflag:s7], $0x2000  }
0x29: {  	[sflag:s7] =	ssyncset.done $0x0  }
0x2a: {  	s6 =	sadd.s32 $0xFFFFFFFF, s6;
	[sflag:s7] =	ssyncadd.s32 $0xFFFFE000  }
0x2b: {  	_ =	sfence.sel $0x180000  }
0x2c: {  	[bflag:$0x0] =	sbarrier.arrive $0xFFFF  }
0x2d: {  	p0 =	sne.s32 s2, $0x0;
	_ =	strace $0x90000047  }
0x2e: {  	s0 =	sadd.s32 @!p0 $0x100000, s0;
	[bflag:$0x2] =	sbarrier.arrive $0xFFFF  }
0x2f: {  	[sflag:s0] =	ssyncadd.tile.s32 @!p0 $0x1;
	_ =	shalt  }
.Lfunc_end2:
_tile_overlayer_lowered:
.L_overlay_start_2:
0x30: {  	(tag) =	ssettag $0x2  }
0x31: {  	s0 =	rddreg [dreg:$0x0];
	s2 =	stileid.u32  }
0x32: {  	s1 =	rddreg [dreg:$0x1];
	p0 =	sne.s32 s2, $0x0  }
0x33: {  	s3 =	rddreg [dreg:$0x2];
	[bflag:$0x3] =	sbarrier.arrive $0xFFFF;
	s2 =	simm.s32 @!p0 $0x1C02  }
0x34: {  	[timem:s3], [sflag:s2] =	dma.local @!p0 [hbm:s0], s1  }
0x35: {  	s0 =	simm.s32 @!p0 $0x2  }
0x36: {  	_ =	swait.ge @!p0 [sflag:s0], s1  }
0x37: {  	s1 =	ssub.s32 @!p0 $0x0, s1;
	[sflag:s0] =	ssyncset.done @!p0 $0x0  }
0x38: {  	[sflag:s0] =	ssyncadd.s32 @!p0 s1  }
0x39: {  	[bflag:$0x3] =	sbarrier.arrive $0xFFFF  }
0x3a: {  	_ =	shalt  }

</sc_bundles>
